<compile_context>
chip_gen: v7x
topology: tpu7x:2x2x1
jax: 0.10.2.dev20260603
libtpu: 0.0.44.dev20260713+nightly
codegen_flags: <defaults>
</compile_context>

<pallas_src>
import functools

import jax
import jax.numpy as jnp
from jax import lax
from jax.experimental import pallas as pl
from jax.experimental.pallas import tpu as pltpu
from jax.experimental.pallas import tpu_sc as plsc

BATCH = 1024
SEQ = 50
NROWS = BATCH * SEQ
HIDDEN = 64
NW = 32
ROWS_PER_W = NROWS // NW
CHUNK = 800
RB = 3200


def _gather_embeddings(len2, ipd2, pidx_len, pidx_ipd, nrows):
    mesh = plsc.VectorSubcoreMesh(core_axis_name="c", subcore_axis_name="s")
    rows_per_w = nrows // NW

    @functools.partial(
        pl.kernel,
        mesh=mesh,
        out_type=(
            jax.ShapeDtypeStruct((nrows, 2 * HIDDEN), jnp.float32),
            jax.ShapeDtypeStruct((nrows, 2 * HIDDEN), jnp.float32),
        ),
        scratch_types=[
            pltpu.VMEM((CHUNK,), jnp.int32),
            pltpu.VMEM((CHUNK, 2 * HIDDEN), jnp.float32),
            pltpu.SemaphoreType.DMA,
        ],
    )
    def k(len_hbm, ipd_hbm, il_hbm, ii_hbm, out_l, out_i, idx_v, rows_v, sem):
        wid = lax.axis_index("s") * 2 + lax.axis_index("c")
        base0 = wid * rows_per_w
        for t_hbm, i_hbm, o_hbm in ((len_hbm, il_hbm, out_l),
                                    (ipd_hbm, ii_hbm, out_i)):
            for ch in range(rows_per_w // CHUNK):
                base = base0 + ch * CHUNK
                pltpu.sync_copy(i_hbm.at[pl.ds(base, CHUNK)], idx_v)
                pltpu.async_copy(t_hbm.at[idx_v], rows_v, sem).wait()
                pltpu.sync_copy(rows_v, o_hbm.at[pl.ds(base, CHUNK)])

    return k(len2, ipd2, pidx_len, pidx_ipd)


def _build_mats(S, H, T, LUT):
    eye = jnp.eye(8, dtype=jnp.float32)
    St = jnp.pad(jnp.transpose(S, (0, 2, 1)), ((0, 0), (0, 1), (0, 0)))
    M1 = (eye[:, None, :, None] * St[:, :, None, :]).reshape(128, 64)
    Tc = jnp.pad(T, ((0, 0), (0, 1))).reshape(128, 1)
    Hp = jnp.pad(H.T, ((0, 0), (0, 1)))
    M2 = (eye[:, None, :, None] * Hp[None, :, None, :]).reshape(128, 128)
    M3 = jnp.transpose(LUT, (2, 0, 1)).reshape(LUT.shape[2], 128)
    return M1, Tc, M2, M3


def _pq_stage(vT_or_v, M1, Tc, M2, n, transposed_in=True):
    if transposed_in:
        pT = jnp.dot(M1, vT_or_v)
    else:
        pT = lax.dot_general(M1, vT_or_v, (((1,), (1,)), ((), ())))
    sT = jnp.where(pT - Tc > 0, 1.0, -1.0)
    lT = jnp.dot(M2, sT)
    v = lT.reshape(8, 16, n)
    m = v
    for hw in (8, 4, 2, 1):
        m = jnp.maximum(m[:, :hw, :], m[:, hw:2 * hw, :])
    iot = lax.broadcasted_iota(jnp.int32, (8, 16, n), 1)
    cand = jnp.where(v == m, iot, 16)
    mi = cand
    for hw in (8, 4, 2, 1):
        mi = jnp.minimum(mi[:, :hw, :], mi[:, hw:2 * hw, :])
    return (iot == mi).astype(jnp.float32).reshape(128, n)


RBF = 5 * BATCH
HGRID = NROWS // RBF // 2


def _make_half_body(final_half):

    def body(lg_ref, ig_ref, parl_ref, pari_ref,
             Mx1_ref, Txc_ref, Mx2_ref, Mx3_ref,
             Mh1_ref, Thc_ref, Mh2_ref, Mh3_ref,
             Mf1_ref, Tfc_ref, Mf2_ref, Mf3_ref, h0_ref,
             out_ref, hT_ref, AT_ref):
        i = pl.program_id(0)

        @pl.when(i == 0)
        def _():
            if final_half:
                hT_ref[...] = h0_ref[...]
            else:
                hT_ref[...] = jnp.zeros((HIDDEN, BATCH), jnp.float32)

        lgv = lg_ref[...]
        igv = ig_ref[...]
        len_sel = jnp.where(parl_ref[...] == 1, lgv[:, HIDDEN:],
                            lgv[:, :HIDDEN])
        ipd_sel = jnp.where(pari_ref[...] == 1, igv[:, HIDDEN:],
                            igv[:, :HIDDEN])
        xe = ipd_sel + len_sel
        oh = _pq_stage(xe, Mx1_ref[...], Txc_ref[...], Mx2_ref[...], RBF,
                       transposed_in=False)
        AT_ref[...] = jnp.dot(Mx3_ref[...], oh)

        Mh1 = Mh1_ref[...]
        Thc = Thc_ref[...]
        Mh2 = Mh2_ref[...]
        Mh3 = Mh3_ref[...]
        for k in range(RBF // BATCH):
            at = AT_ref[:, k * BATCH:(k + 1) * BATCH]
            ohk = _pq_stage(hT_ref[...], Mh1, Thc, Mh2, BATCH)
            hT_ref[...] = at + jnp.dot(Mh3, ohk)

        @pl.when(i == HGRID - 1)
        def _():
            if final_half:
                ohf = _pq_stage(hT_ref[...], Mf1_ref[...], Tfc_ref[...],
                                Mf2_ref[...], BATCH)
                o = lax.dot_general(ohf, Mf3_ref[...],
                                    (((0,), (1,)), ((), ())))
                m = jnp.max(o, axis=-1, keepdims=True)
                sh = o - m
                out_ref[...] = sh - jnp.log(jnp.sum(jnp.exp(sh), axis=-1,
                                                    keepdims=True))
            else:
                out_ref[...] = hT_ref[...]

    return body


def _fused_half(lg, ig, parl, pari, mats_x, mats_h, mats_f, h0, final_half):
    wspec = [
        pl.BlockSpec((128, 64), lambda i: (0, 0)),
        pl.BlockSpec((128, 1), lambda i: (0, 0)),
        pl.BlockSpec((128, 128), lambda i: (0, 0)),
    ]
    if final_half:
        out_spec = pl.BlockSpec((BATCH, 100), lambda i: (0, 0))
        out_shape = jax.ShapeDtypeStruct((BATCH, 100), jnp.float32)
    else:
        out_spec = pl.BlockSpec((HIDDEN, BATCH), lambda i: (0, 0))
        out_shape = jax.ShapeDtypeStruct((HIDDEN, BATCH), jnp.float32)
    return pl.pallas_call(
        _make_half_body(final_half),
        grid=(HGRID,),
        in_specs=[
            pl.BlockSpec((RBF, 2 * HIDDEN), lambda i: (i, 0)),
            pl.BlockSpec((RBF, 2 * HIDDEN), lambda i: (i, 0)),
            pl.BlockSpec((RBF, 1), lambda i: (i, 0)),
            pl.BlockSpec((RBF, 1), lambda i: (i, 0)),
        ] + wspec + [pl.BlockSpec((64, 128), lambda i: (0, 0))]
          + wspec + [pl.BlockSpec((64, 128), lambda i: (0, 0))]
          + wspec + [pl.BlockSpec((100, 128), lambda i: (0, 0))]
          + [pl.BlockSpec((HIDDEN, BATCH), lambda i: (0, 0))],
        out_specs=out_spec,
        out_shape=out_shape,
        scratch_shapes=[pltpu.VMEM((HIDDEN, BATCH), jnp.float32),
                        pltpu.VMEM((HIDDEN, RBF), jnp.float32)],
    )(lg, ig, parl, pari, *mats_x, *mats_h, *mats_f, h0)


def kernel(x, S1, H1, T1, LUT1, S2, H2, T2, LUT2, lenLUT, ipdLUT):
    xt = x.astype(jnp.int32).transpose(1, 0, 2)
    idx_len = xt[:, :, 0].reshape(NROWS)
    idx_ipd = xt[:, :, 1].reshape(NROWS)

    len2 = lenLUT.reshape(-1, 2 * HIDDEN)
    ipd2 = ipdLUT.reshape(-1, 2 * HIDDEN)
    half = NROWS // 2
    lg1, ig1 = _gather_embeddings(len2, ipd2, (idx_len >> 1)[:half],
                                  (idx_ipd >> 1)[:half], half)
    lg2, ig2 = _gather_embeddings(len2, ipd2, (idx_len >> 1)[half:],
                                  (idx_ipd >> 1)[half:], half)
    parl = (idx_len & 1).reshape(NROWS, 1)
    pari = (idx_ipd & 1).reshape(NROWS, 1)

    mats_x = _build_mats(S1[:8], H1, T1[:8], LUT1[:8])
    mats_h = _build_mats(S1[8:], H1, T1[8:], LUT1[8:])
    mats_f = _build_mats(S2, H2, T2, LUT2)

    h0 = jnp.zeros((HIDDEN, BATCH), jnp.float32)
    hmid = _fused_half(lg1, ig1, parl[:half], pari[:half],
                       mats_x, mats_h, mats_f, h0, final_half=False)
    return _fused_half(lg2, ig2, parl[half:], pari[half:],
                       mats_x, mats_h, mats_f, hmid, final_half=True)

# --- scband reference (transcript-rebuilt; emitter-appended) ---
"""Pipeline reference for scband-rnn-lut-77180562309394 (READ-ONLY COPY).

The authoritative reference and input builder live on the scoring server;
editing this copy changes nothing except your own understanding.
"""

import jax, jax.numpy as jnp
import numpy as np

C1, D1 = 16, 8
C2, D2 = 8, 8
HIDDEN = 64
RNN_IN = 64
LABELS = 100
LEN_VOCAB = 100000
IPD_VOCAB = 100000
BATCH = 1024
SEQ = 50


def setup_inputs(seed: int = 0) -> dict:
    key = jax.random.key(seed)
    ks = jax.random.split(key, 12)
    x = jax.random.randint(ks[0], (BATCH, SEQ, 2), 0, LEN_VOCAB)
    S1 = jax.random.normal(ks[1], (C1, D1, 15), dtype=jnp.float32)
    H1 = jax.random.normal(ks[2], (15, 16), dtype=jnp.float32)
    T1 = jax.random.normal(ks[3], (C1, 15), dtype=jnp.float32)
    LUT1 = jax.random.normal(ks[4], (C1, 16, HIDDEN), dtype=jnp.float32)
    S2 = jax.random.normal(ks[5], (C2, D2, 15), dtype=jnp.float32)
    H2 = jax.random.normal(ks[6], (15, 16), dtype=jnp.float32)
    T2 = jax.random.normal(ks[7], (C2, 15), dtype=jnp.float32)
    LUT2 = jax.random.normal(ks[8], (C2, 16, LABELS), dtype=jnp.float32)
    lenLUT = jax.random.normal(ks[9], (LEN_VOCAB, RNN_IN), dtype=jnp.float32)
    ipdLUT = jax.random.normal(ks[10], (IPD_VOCAB, RNN_IN), dtype=jnp.float32)
    return {"x": x, "S1": S1, "H1": H1, "T1": T1, "LUT1": LUT1,
            "S2": S2, "H2": H2, "T2": T2, "LUT2": LUT2,
            "lenLUT": lenLUT, "ipdLUT": ipdLUT}


def mm_final(x, S, H, T, LUT, C, D):
    x = x.reshape(-1, C, D)
    x = jnp.einsum('bcd,cdk->bck', x, S)
    x = x - T[None, :, :]
    x = jnp.where(x == 0, -1.0, x)
    x = jnp.sign(x)
    x = jnp.einsum('bcd,dk->bck', x, H)
    idx = jnp.argmax(x, axis=-1)
    one_hot = jax.nn.one_hot(idx, 16, dtype=jnp.float32)
    x = jnp.einsum('bck,cko->bco', one_hot, LUT)
    return jnp.sum(x, axis=1)


def reference(x, S1, H1, T1, LUT1, S2, H2, T2, LUT2, lenLUT, ipdLUT):
    len_x = jnp.take(lenLUT, x[:, :, 0], axis=0)
    ipd_x = jnp.take(ipdLUT, x[:, :, 1], axis=0)
    xe = (ipd_x + len_x).transpose(1, 0, 2)  # [T, B, rnn_in]
    h0 = jnp.zeros((x.shape[0], HIDDEN), dtype=jnp.float32)

    def step(h, xt):
        rnnin = jnp.concatenate([xt, h], axis=1)
        hn = mm_final(rnnin, S1, H1, T1, LUT1, C1, D1)
        return hn, None

    h, _ = jax.lax.scan(step, h0, xe)
    out = mm_final(h, S2, H2, T2, LUT2, C2, D2)
    return jax.nn.log_softmax(out, axis=-1)

if __name__ == "__main__":
    import jax
    _d = setup_inputs()
    print(jax.jit(kernel)(*tuple(_d.values())))

</pallas_src>

<mosaic_0001>
#map = affine_map<(d0, d1) -> (0, 0)>
#map1 = affine_map<(d0, d1) -> (0)>
module attributes {stable_mosaic.version = 14 : i64} {
  func.func @k(%arg0: i32, %arg1: i32, %arg2: memref<50000x128xf32, #tpu.memory_space<hbm>>, %arg3: memref<50000x128xf32, #tpu.memory_space<hbm>>, %arg4: memref<25600xi32, #tpu.memory_space<hbm>>, %arg5: memref<25600xi32, #tpu.memory_space<hbm>>, %arg6: memref<25600x128xf32, #tpu.memory_space<hbm>>, %arg7: memref<25600x128xf32, #tpu.memory_space<hbm>>, %arg8: memref<800xi32, #tpu.memory_space<vmem>>, %arg9: memref<800x128xf32, #tpu.memory_space<vmem>>, %arg10: memref<!tpu.dma_semaphore, #tpu.memory_space<semaphore_mem>>) attributes {dimension_semantics = [#tpu.dimension_semantics<core_parallel>, #tpu.dimension_semantics<subcore_parallel>], iteration_bounds = array<i64: 2, 16>, scalar_prefetch = 0 : i64, scratch_operands = 3 : i64, tpu.core_type = #tpu.core_type<sc_vector_subcore>, window_params = [{transform_indices = #map}, {transform_indices = #map}, {transform_indices = #map1}, {transform_indices = #map1}, {transform_indices = #map}, {transform_indices = #map}]} {
    %mul3A = arith.constant 2 : i32
    %mul3A_0 = arith.muli %arg1, %mul3A : i32
    %add3A = arith.addi %mul3A_0, %arg0 : i32
    %mul3A_1 = arith.constant 800 : i32
    %mul3A_2 = arith.muli %add3A, %mul3A_1 : i32
    %add3A_3 = arith.constant 0 : i32
    %add3A_4 = arith.addi %mul3A_2, %add3A_3 : i32
    "tpu.region"() ({
      %run_scoped3A = tpu.sem_alloc : memref<!tpu.dma_semaphore, #tpu.memory_space<semaphore_mem>>
      %dma_start3A_17 = tpu.memref_slice %arg4[%add3A_4] : memref<25600xi32, #tpu.memory_space<hbm>> -> memref<800xi32, #tpu.memory_space<hbm>>
      %dma_start3A_18 = tpu.memref_slice %arg4[%add3A_4] : memref<25600xi32, #tpu.memory_space<hbm>> -> memref<800xi32, #tpu.memory_space<hbm>>
      tpu.enqueue_dma source(%dma_start3A_18 : memref<800xi32, #tpu.memory_space<hbm>>) target(%arg8 : memref<800xi32, #tpu.memory_space<vmem>>) target_semaphore(%run_scoped3A : memref<!tpu.dma_semaphore, #tpu.memory_space<semaphore_mem>>)
      %dma_wait3A_19 = tpu.memref_slice %arg4[%add3A_4] : memref<25600xi32, #tpu.memory_space<hbm>> -> memref<800xi32, #tpu.memory_space<hbm>>
      %dma_wait3A_20 = tpu.memref_slice %arg4[%add3A_4] : memref<25600xi32, #tpu.memory_space<hbm>> -> memref<800xi32, #tpu.memory_space<hbm>>
      tpu.wait_dma2 semaphore(%run_scoped3A : memref<!tpu.dma_semaphore, #tpu.memory_space<semaphore_mem>>) src(%dma_wait3A_20 : memref<800xi32, #tpu.memory_space<hbm>>) dst(%arg8 : memref<800xi32, #tpu.memory_space<vmem>>)
      tpu.yield
    }) : () -> ()
    %dma_start3A = arith.constant 0 : i32
    %dma_start3A_5 = arith.constant 0 : i32
    %dma_start3A_6 = tpu.memref_slice %arg2[%dma_start3A, %dma_start3A_5] : memref<50000x128xf32, #tpu.memory_space<hbm>> -> memref<50000x128xf32, #tpu.memory_space<hbm>>
    tpu.enqueue_indirect_dma source(%dma_start3A_6 : memref<50000x128xf32, #tpu.memory_space<hbm>>) target(%arg9 : memref<800x128xf32, #tpu.memory_space<vmem>>) offsets(%arg8 : memref<800xi32, #tpu.memory_space<vmem>>) semaphore(%arg10 : memref<!tpu.dma_semaphore, #tpu.memory_space<semaphore_mem>>)
    %dma_wait3A = arith.constant 0 : i32
    %dma_wait3A_7 = arith.constant 0 : i32
    %dma_wait3A_8 = tpu.memref_slice %arg2[%dma_wait3A, %dma_wait3A_7] : memref<50000x128xf32, #tpu.memory_space<hbm>> -> memref<50000x128xf32, #tpu.memory_space<hbm>>
    tpu.wait_indirect_dma semaphore(%arg10 : memref<!tpu.dma_semaphore, #tpu.memory_space<semaphore_mem>>) src(%dma_wait3A_8 : memref<50000x128xf32, #tpu.memory_space<hbm>>) dst(%arg9 : memref<800x128xf32, #tpu.memory_space<vmem>>)
    "tpu.region"() ({
      %run_scoped3A = tpu.sem_alloc : memref<!tpu.dma_semaphore, #tpu.memory_space<semaphore_mem>>
      %dma_start3A_17 = arith.constant 0 : i32
      %dma_start3A_18 = tpu.memref_slice %arg6[%add3A_4, %dma_start3A_17] : memref<25600x128xf32, #tpu.memory_space<hbm>> -> memref<800x128xf32, #tpu.memory_space<hbm>>
      %dma_start3A_19 = arith.constant 0 : i32
      %dma_start3A_20 = tpu.memref_slice %arg6[%add3A_4, %dma_start3A_19] : memref<25600x128xf32, #tpu.memory_space<hbm>> -> memref<800x128xf32, #tpu.memory_space<hbm>>
      tpu.enqueue_dma source(%arg9 : memref<800x128xf32, #tpu.memory_space<vmem>>) target(%dma_start3A_20 : memref<800x128xf32, #tpu.memory_space<hbm>>) target_semaphore(%run_scoped3A : memref<!tpu.dma_semaphore, #tpu.memory_space<semaphore_mem>>)
      %dma_wait3A_21 = arith.constant 0 : i32
      %dma_wait3A_22 = tpu.memref_slice %arg6[%add3A_4, %dma_wait3A_21] : memref<25600x128xf32, #tpu.memory_space<hbm>> -> memref<800x128xf32, #tpu.memory_space<hbm>>
      %dma_wait3A_23 = arith.constant 0 : i32
      %dma_wait3A_24 = tpu.memref_slice %arg6[%add3A_4, %dma_wait3A_23] : memref<25600x128xf32, #tpu.memory_space<hbm>> -> memref<800x128xf32, #tpu.memory_space<hbm>>
      tpu.wait_dma2 semaphore(%run_scoped3A : memref<!tpu.dma_semaphore, #tpu.memory_space<semaphore_mem>>) src(%arg9 : memref<800x128xf32, #tpu.memory_space<vmem>>) dst(%dma_wait3A_24 : memref<800x128xf32, #tpu.memory_space<hbm>>)
      tpu.yield
    }) : () -> ()
    %add3A_9 = arith.constant 0 : i32
    %add3A_10 = arith.addi %mul3A_2, %add3A_9 : i32
    "tpu.region"() ({
      %run_scoped3A = tpu.sem_alloc : memref<!tpu.dma_semaphore, #tpu.memory_space<semaphore_mem>>
      %dma_start3A_17 = tpu.memref_slice %arg5[%add3A_10] : memref<25600xi32, #tpu.memory_space<hbm>> -> memref<800xi32, #tpu.memory_space<hbm>>
      %dma_start3A_18 = tpu.memref_slice %arg5[%add3A_10] : memref<25600xi32, #tpu.memory_space<hbm>> -> memref<800xi32, #tpu.memory_space<hbm>>
      tpu.enqueue_dma source(%dma_start3A_18 : memref<800xi32, #tpu.memory_space<hbm>>) target(%arg8 : memref<800xi32, #tpu.memory_space<vmem>>) target_semaphore(%run_scoped3A : memref<!tpu.dma_semaphore, #tpu.memory_space<semaphore_mem>>)
      %dma_wait3A_19 = tpu.memref_slice %arg5[%add3A_10] : memref<25600xi32, #tpu.memory_space<hbm>> -> memref<800xi32, #tpu.memory_space<hbm>>
      %dma_wait3A_20 = tpu.memref_slice %arg5[%add3A_10] : memref<25600xi32, #tpu.memory_space<hbm>> -> memref<800xi32, #tpu.memory_space<hbm>>
      tpu.wait_dma2 semaphore(%run_scoped3A : memref<!tpu.dma_semaphore, #tpu.memory_space<semaphore_mem>>) src(%dma_wait3A_20 : memref<800xi32, #tpu.memory_space<hbm>>) dst(%arg8 : memref<800xi32, #tpu.memory_space<vmem>>)
      tpu.yield
    }) : () -> ()
    %dma_start3A_11 = arith.constant 0 : i32
    %dma_start3A_12 = arith.constant 0 : i32
    %dma_start3A_13 = tpu.memref_slice %arg3[%dma_start3A_11, %dma_start3A_12] : memref<50000x128xf32, #tpu.memory_space<hbm>> -> memref<50000x128xf32, #tpu.memory_space<hbm>>
    tpu.enqueue_indirect_dma source(%dma_start3A_13 : memref<50000x128xf32, #tpu.memory_space<hbm>>) target(%arg9 : memref<800x128xf32, #tpu.memory_space<vmem>>) offsets(%arg8 : memref<800xi32, #tpu.memory_space<vmem>>) semaphore(%arg10 : memref<!tpu.dma_semaphore, #tpu.memory_space<semaphore_mem>>)
    %dma_wait3A_14 = arith.constant 0 : i32
    %dma_wait3A_15 = arith.constant 0 : i32
    %dma_wait3A_16 = tpu.memref_slice %arg3[%dma_wait3A_14, %dma_wait3A_15] : memref<50000x128xf32, #tpu.memory_space<hbm>> -> memref<50000x128xf32, #tpu.memory_space<hbm>>
    tpu.wait_indirect_dma semaphore(%arg10 : memref<!tpu.dma_semaphore, #tpu.memory_space<semaphore_mem>>) src(%dma_wait3A_16 : memref<50000x128xf32, #tpu.memory_space<hbm>>) dst(%arg9 : memref<800x128xf32, #tpu.memory_space<vmem>>)
    "tpu.region"() ({
      %run_scoped3A = tpu.sem_alloc : memref<!tpu.dma_semaphore, #tpu.memory_space<semaphore_mem>>
      %dma_start3A_17 = arith.constant 0 : i32
      %dma_start3A_18 = tpu.memref_slice %arg7[%add3A_10, %dma_start3A_17] : memref<25600x128xf32, #tpu.memory_space<hbm>> -> memref<800x128xf32, #tpu.memory_space<hbm>>
      %dma_start3A_19 = arith.constant 0 : i32
      %dma_start3A_20 = tpu.memref_slice %arg7[%add3A_10, %dma_start3A_19] : memref<25600x128xf32, #tpu.memory_space<hbm>> -> memref<800x128xf32, #tpu.memory_space<hbm>>
      tpu.enqueue_dma source(%arg9 : memref<800x128xf32, #tpu.memory_space<vmem>>) target(%dma_start3A_20 : memref<800x128xf32, #tpu.memory_space<hbm>>) target_semaphore(%run_scoped3A : memref<!tpu.dma_semaphore, #tpu.memory_space<semaphore_mem>>)
      %dma_wait3A_21 = arith.constant 0 : i32
      %dma_wait3A_22 = tpu.memref_slice %arg7[%add3A_10, %dma_wait3A_21] : memref<25600x128xf32, #tpu.memory_space<hbm>> -> memref<800x128xf32, #tpu.memory_space<hbm>>
      %dma_wait3A_23 = arith.constant 0 : i32
      %dma_wait3A_24 = tpu.memref_slice %arg7[%add3A_10, %dma_wait3A_23] : memref<25600x128xf32, #tpu.memory_space<hbm>> -> memref<800x128xf32, #tpu.memory_space<hbm>>
      tpu.wait_dma2 semaphore(%run_scoped3A : memref<!tpu.dma_semaphore, #tpu.memory_space<semaphore_mem>>) src(%arg9 : memref<800x128xf32, #tpu.memory_space<vmem>>) dst(%dma_wait3A_24 : memref<800x128xf32, #tpu.memory_space<hbm>>)
      tpu.yield
    }) : () -> ()
    return
  }
}

#map = affine_map<(d0, d1) -> (0, 0)>
#map1 = affine_map<(d0, d1) -> (0)>
module attributes {stable_mosaic.version = 14 : i64} {
  func.func @k(%arg0: i32, %arg1: i32, %arg2: memref<50000x128xf32, #tpu.memory_space<hbm>>, %arg3: memref<50000x128xf32, #tpu.memory_space<hbm>>, %arg4: memref<25600xi32, #tpu.memory_space<hbm>>, %arg5: memref<25600xi32, #tpu.memory_space<hbm>>, %arg6: memref<25600x128xf32, #tpu.memory_space<hbm>>, %arg7: memref<25600x128xf32, #tpu.memory_space<hbm>>, %arg8: memref<800xi32, #tpu.memory_space<vmem>>, %arg9: memref<800x128xf32, #tpu.memory_space<vmem>>, %arg10: memref<!tpu.dma_semaphore, #tpu.memory_space<semaphore_mem>>) attributes {dimension_semantics = [#tpu.dimension_semantics<core_parallel>, #tpu.dimension_semantics<subcore_parallel>], iteration_bounds = array<i64: 2, 16>, scalar_prefetch = 0 : i64, scratch_operands = 3 : i64, tpu.core_type = #tpu.core_type<sc_vector_subcore>, window_params = [{transform_indices = #map}, {transform_indices = #map}, {transform_indices = #map1}, {transform_indices = #map1}, {transform_indices = #map}, {transform_indices = #map}]} {
    %mul3A = arith.constant 2 : i32
    %mul3A_0 = arith.muli %arg1, %mul3A : i32
    %add3A = arith.addi %mul3A_0, %arg0 : i32
    %mul3A_1 = arith.constant 800 : i32
    %mul3A_2 = arith.muli %add3A, %mul3A_1 : i32
    %add3A_3 = arith.constant 0 : i32
    %add3A_4 = arith.addi %mul3A_2, %add3A_3 : i32
    "tpu.region"() ({
      %run_scoped3A = tpu.sem_alloc : memref<!tpu.dma_semaphore, #tpu.memory_space<semaphore_mem>>
      %dma_start3A_17 = tpu.memref_slice %arg4[%add3A_4] : memref<25600xi32, #tpu.memory_space<hbm>> -> memref<800xi32, #tpu.memory_space<hbm>>
      %dma_start3A_18 = tpu.memref_slice %arg4[%add3A_4] : memref<25600xi32, #tpu.memory_space<hbm>> -> memref<800xi32, #tpu.memory_space<hbm>>
      tpu.enqueue_dma source(%dma_start3A_18 : memref<800xi32, #tpu.memory_space<hbm>>) target(%arg8 : memref<800xi32, #tpu.memory_space<vmem>>) target_semaphore(%run_scoped3A : memref<!tpu.dma_semaphore, #tpu.memory_space<semaphore_mem>>)
      %dma_wait3A_19 = tpu.memref_slice %arg4[%add3A_4] : memref<25600xi32, #tpu.memory_space<hbm>> -> memref<800xi32, #tpu.memory_space<hbm>>
      %dma_wait3A_20 = tpu.memref_slice %arg4[%add3A_4] : memref<25600xi32, #tpu.memory_space<hbm>> -> memref<800xi32, #tpu.memory_space<hbm>>
      tpu.wait_dma2 semaphore(%run_scoped3A : memref<!tpu.dma_semaphore, #tpu.memory_space<semaphore_mem>>) src(%dma_wait3A_20 : memref<800xi32, #tpu.memory_space<hbm>>) dst(%arg8 : memref<800xi32, #tpu.memory_space<vmem>>)
      tpu.yield
    }) : () -> ()
    %dma_start3A = arith.constant 0 : i32
    %dma_start3A_5 = arith.constant 0 : i32
    %dma_start3A_6 = tpu.memref_slice %arg2[%dma_start3A, %dma_start3A_5] : memref<50000x128xf32, #tpu.memory_space<hbm>> -> memref<50000x128xf32, #tpu.memory_space<hbm>>
    tpu.enqueue_indirect_dma source(%dma_start3A_6 : memref<50000x128xf32, #tpu.memory_space<hbm>>) target(%arg9 : memref<800x128xf32, #tpu.memory_space<vmem>>) offsets(%arg8 : memref<800xi32, #tpu.memory_space<vmem>>) semaphore(%arg10 : memref<!tpu.dma_semaphore, #tpu.memory_space<semaphore_mem>>)
    %dma_wait3A = arith.constant 0 : i32
    %dma_wait3A_7 = arith.constant 0 : i32
    %dma_wait3A_8 = tpu.memref_slice %arg2[%dma_wait3A, %dma_wait3A_7] : memref<50000x128xf32, #tpu.memory_space<hbm>> -> memref<50000x128xf32, #tpu.memory_space<hbm>>
    tpu.wait_indirect_dma semaphore(%arg10 : memref<!tpu.dma_semaphore, #tpu.memory_space<semaphore_mem>>) src(%dma_wait3A_8 : memref<50000x128xf32, #tpu.memory_space<hbm>>) dst(%arg9 : memref<800x128xf32, #tpu.memory_space<vmem>>)
    "tpu.region"() ({
      %run_scoped3A = tpu.sem_alloc : memref<!tpu.dma_semaphore, #tpu.memory_space<semaphore_mem>>
      %dma_start3A_17 = arith.constant 0 : i32
      %dma_start3A_18 = tpu.memref_slice %arg6[%add3A_4, %dma_start3A_17] : memref<25600x128xf32, #tpu.memory_space<hbm>> -> memref<800x128xf32, #tpu.memory_space<hbm>>
      %dma_start3A_19 = arith.constant 0 : i32
      %dma_start3A_20 = tpu.memref_slice %arg6[%add3A_4, %dma_start3A_19] : memref<25600x128xf32, #tpu.memory_space<hbm>> -> memref<800x128xf32, #tpu.memory_space<hbm>>
      tpu.enqueue_dma source(%arg9 : memref<800x128xf32, #tpu.memory_space<vmem>>) target(%dma_start3A_20 : memref<800x128xf32, #tpu.memory_space<hbm>>) target_semaphore(%run_scoped3A : memref<!tpu.dma_semaphore, #tpu.memory_space<semaphore_mem>>)
      %dma_wait3A_21 = arith.constant 0 : i32
      %dma_wait3A_22 = tpu.memref_slice %arg6[%add3A_4, %dma_wait3A_21] : memref<25600x128xf32, #tpu.memory_space<hbm>> -> memref<800x128xf32, #tpu.memory_space<hbm>>
      %dma_wait3A_23 = arith.constant 0 : i32
      %dma_wait3A_24 = tpu.memref_slice %arg6[%add3A_4, %dma_wait3A_23] : memref<25600x128xf32, #tpu.memory_space<hbm>> -> memref<800x128xf32, #tpu.memory_space<hbm>>
      tpu.wait_dma2 semaphore(%run_scoped3A : memref<!tpu.dma_semaphore, #tpu.memory_space<semaphore_mem>>) src(%arg9 : memref<800x128xf32, #tpu.memory_space<vmem>>) dst(%dma_wait3A_24 : memref<800x128xf32, #tpu.memory_space<hbm>>)
      tpu.yield
    }) : () -> ()
    %add3A_9 = arith.constant 0 : i32
    %add3A_10 = arith.addi %mul3A_2, %add3A_9 : i32
    "tpu.region"() ({
      %run_scoped3A = tpu.sem_alloc : memref<!tpu.dma_semaphore, #tpu.memory_space<semaphore_mem>>
      %dma_start3A_17 = tpu.memref_slice %arg5[%add3A_10] : memref<25600xi32, #tpu.memory_space<hbm>> -> memref<800xi32, #tpu.memory_space<hbm>>
      %dma_start3A_18 = tpu.memref_slice %arg5[%add3A_10] : memref<25600xi32, #tpu.memory_space<hbm>> -> memref<800xi32, #tpu.memory_space<hbm>>
      tpu.enqueue_dma source(%dma_start3A_18 : memref<800xi32, #tpu.memory_space<hbm>>) target(%arg8 : memref<800xi32, #tpu.memory_space<vmem>>) target_semaphore(%run_scoped3A : memref<!tpu.dma_semaphore, #tpu.memory_space<semaphore_mem>>)
      %dma_wait3A_19 = tpu.memref_slice %arg5[%add3A_10] : memref<25600xi32, #tpu.memory_space<hbm>> -> memref<800xi32, #tpu.memory_space<hbm>>
      %dma_wait3A_20 = tpu.memref_slice %arg5[%add3A_10] : memref<25600xi32, #tpu.memory_space<hbm>> -> memref<800xi32, #tpu.memory_space<hbm>>
      tpu.wait_dma2 semaphore(%run_scoped3A : memref<!tpu.dma_semaphore, #tpu.memory_space<semaphore_mem>>) src(%dma_wait3A_20 : memref<800xi32, #tpu.memory_space<hbm>>) dst(%arg8 : memref<800xi32, #tpu.memory_space<vmem>>)
      tpu.yield
    }) : () -> ()
    %dma_start3A_11 = arith.constant 0 : i32
    %dma_start3A_12 = arith.constant 0 : i32
    %dma_start3A_13 = tpu.memref_slice %arg3[%dma_start3A_11, %dma_start3A_12] : memref<50000x128xf32, #tpu.memory_space<hbm>> -> memref<50000x128xf32, #tpu.memory_space<hbm>>
    tpu.enqueue_indirect_dma source(%dma_start3A_13 : memref<50000x128xf32, #tpu.memory_space<hbm>>) target(%arg9 : memref<800x128xf32, #tpu.memory_space<vmem>>) offsets(%arg8 : memref<800xi32, #tpu.memory_space<vmem>>) semaphore(%arg10 : memref<!tpu.dma_semaphore, #tpu.memory_space<semaphore_mem>>)
    %dma_wait3A_14 = arith.constant 0 : i32
    %dma_wait3A_15 = arith.constant 0 : i32
    %dma_wait3A_16 = tpu.memref_slice %arg3[%dma_wait3A_14, %dma_wait3A_15] : memref<50000x128xf32, #tpu.memory_space<hbm>> -> memref<50000x128xf32, #tpu.memory_space<hbm>>
    tpu.wait_indirect_dma semaphore(%arg10 : memref<!tpu.dma_semaphore, #tpu.memory_space<semaphore_mem>>) src(%dma_wait3A_16 : memref<50000x128xf32, #tpu.memory_space<hbm>>) dst(%arg9 : memref<800x128xf32, #tpu.memory_space<vmem>>)
    "tpu.region"() ({
      %run_scoped3A = tpu.sem_alloc : memref<!tpu.dma_semaphore, #tpu.memory_space<semaphore_mem>>
      %dma_start3A_17 = arith.constant 0 : i32
      %dma_start3A_18 = tpu.memref_slice %arg7[%add3A_10, %dma_start3A_17] : memref<25600x128xf32, #tpu.memory_space<hbm>> -> memref<800x128xf32, #tpu.memory_space<hbm>>
      %dma_start3A_19 = arith.constant 0 : i32
      %dma_start3A_20 = tpu.memref_slice %arg7[%add3A_10, %dma_start3A_19] : memref<25600x128xf32, #tpu.memory_space<hbm>> -> memref<800x128xf32, #tpu.memory_space<hbm>>
      tpu.enqueue_dma source(%arg9 : memref<800x128xf32, #tpu.memory_space<vmem>>) target(%dma_start3A_20 : memref<800x128xf32, #tpu.memory_space<hbm>>) target_semaphore(%run_scoped3A : memref<!tpu.dma_semaphore, #tpu.memory_space<semaphore_mem>>)
      %dma_wait3A_21 = arith.constant 0 : i32
      %dma_wait3A_22 = tpu.memref_slice %arg7[%add3A_10, %dma_wait3A_21] : memref<25600x128xf32, #tpu.memory_space<hbm>> -> memref<800x128xf32, #tpu.memory_space<hbm>>
      %dma_wait3A_23 = arith.constant 0 : i32
      %dma_wait3A_24 = tpu.memref_slice %arg7[%add3A_10, %dma_wait3A_23] : memref<25600x128xf32, #tpu.memory_space<hbm>> -> memref<800x128xf32, #tpu.memory_space<hbm>>
      tpu.wait_dma2 semaphore(%run_scoped3A : memref<!tpu.dma_semaphore, #tpu.memory_space<semaphore_mem>>) src(%arg9 : memref<800x128xf32, #tpu.memory_space<vmem>>) dst(%dma_wait3A_24 : memref<800x128xf32, #tpu.memory_space<hbm>>)
      tpu.yield
    }) : () -> ()
    return
  }
}

module attributes {stable_mosaic.version = 14 : i64} {
  func.func @body(%arg0: i32, %arg1: memref<5120x128xf32, #tpu.memory_space<vmem>>, %arg2: memref<5120x128xf32, #tpu.memory_space<vmem>>, %arg3: memref<5120x1xi32, #tpu.memory_space<vmem>>, %arg4: memref<5120x1xi32, #tpu.memory_space<vmem>>, %arg5: memref<128x64xf32, #tpu.memory_space<vmem>>, %arg6: memref<128x1xf32, #tpu.memory_space<vmem>>, %arg7: memref<128x128xf32, #tpu.memory_space<vmem>>, %arg8: memref<64x128xf32, #tpu.memory_space<vmem>>, %arg9: memref<128x64xf32, #tpu.memory_space<vmem>>, %arg10: memref<128x1xf32, #tpu.memory_space<vmem>>, %arg11: memref<128x128xf32, #tpu.memory_space<vmem>>, %arg12: memref<64x128xf32, #tpu.memory_space<vmem>>, %arg13: memref<128x64xf32, #tpu.memory_space<vmem>>, %arg14: memref<128x1xf32, #tpu.memory_space<vmem>>, %arg15: memref<128x128xf32, #tpu.memory_space<vmem>>, %arg16: memref<100x128xf32, #tpu.memory_space<vmem>>, %arg17: memref<64x1024xf32, #tpu.memory_space<vmem>>, %arg18: memref<64x1024xf32, #tpu.memory_space<vmem>>, %arg19: memref<64x1024xf32, #tpu.memory_space<vmem>>, %arg20: memref<64x5120xf32, #tpu.memory_space<vmem>>) attributes {dimension_semantics = [#tpu.dimension_semantics<arbitrary>], iteration_bounds = array<i64: 5>, scalar_prefetch = 0 : i64, scratch_operands = 2 : i64, tpu.core_type = #tpu.core_type<tc>, window_params = [{transform_indices = @transform_0, window_bounds = array<i64: 5120, 128>}, {transform_indices = @transform_1, window_bounds = array<i64: 5120, 128>}, {transform_indices = @transform_2, window_bounds = array<i64: 5120, 1>}, {transform_indices = @transform_3, window_bounds = array<i64: 5120, 1>}, {pipeline_mode = #tpu.pipeline_mode<synchronous>, transform_indices = @transform_4, window_bounds = array<i64: 128, 64>}, {pipeline_mode = #tpu.pipeline_mode<synchronous>, transform_indices = @transform_5, window_bounds = array<i64: 128, 1>}, {pipeline_mode = #tpu.pipeline_mode<synchronous>, transform_indices = @transform_6, window_bounds = array<i64: 128, 128>}, {pipeline_mode = #tpu.pipeline_mode<synchronous>, transform_indices = @transform_7, window_bounds = array<i64: 64, 128>}, {pipeline_mode = #tpu.pipeline_mode<synchronous>, transform_indices = @transform_8, window_bounds = array<i64: 128, 64>}, {pipeline_mode = #tpu.pipeline_mode<synchronous>, transform_indices = @transform_9, window_bounds = array<i64: 128, 1>}, {pipeline_mode = #tpu.pipeline_mode<synchronous>, transform_indices = @transform_10, window_bounds = array<i64: 128, 128>}, {pipeline_mode = #tpu.pipeline_mode<synchronous>, transform_indices = @transform_11, window_bounds = array<i64: 64, 128>}, {pipeline_mode = #tpu.pipeline_mode<synchronous>, transform_indices = @transform_12, window_bounds = array<i64: 128, 64>}, {pipeline_mode = #tpu.pipeline_mode<synchronous>, transform_indices = @transform_13, window_bounds = array<i64: 128, 1>}, {pipeline_mode = #tpu.pipeline_mode<synchronous>, transform_indices = @transform_14, window_bounds = array<i64: 128, 128>}, {pipeline_mode = #tpu.pipeline_mode<synchronous>, transform_indices = @transform_15, window_bounds = array<i64: 100, 128>}, {pipeline_mode = #tpu.pipeline_mode<synchronous>, transform_indices = @transform_16, window_bounds = array<i64: 64, 1024>}, {pipeline_mode = #tpu.pipeline_mode<synchronous>, transform_indices = @transform_17, window_bounds = array<i64: 64, 1024>}]} {
    %eq3A = arith.constant 0 : i32
    %eq3A_0 = arith.cmpi eq, %arg0, %eq3A : i32
    %convert_element_type3A = arith.extui %eq3A_0 : i1 to i32
    %cond3A = arith.constant 0 : i32
    %cond3A_1 = arith.cmpi ne, %convert_element_type3A, %cond3A : i32
    scf.if %cond3A_1 {
      %broadcast_in_dim3A_411 = arith.constant 0.000000e+00 : f32
      %broadcast_in_dim3A_412 = vector.broadcast %broadcast_in_dim3A_411 : f32 to vector<64x1024xf32>
      %swap3A_413 = arith.constant 0 : index
      %swap3A_414 = arith.constant 0 : index
      %swap3A_415 = vector.load %arg19[%swap3A_413, %swap3A_414] : memref<64x1024xf32, #tpu.memory_space<vmem>>, vector<64x1024xf32>
      tpu.vector_store %arg19[%swap3A_413, %swap3A_414], %broadcast_in_dim3A_412 {strides = array<i32>} : memref<64x1024xf32, #tpu.memory_space<vmem>>, vector<64x1024xf32>,
    } else {
    }
    %get3A = arith.constant 0 : index
    %get3A_2 = arith.constant 0 : index
    %get3A_3 = vector.load %arg1[%get3A, %get3A_2] : memref<5120x128xf32, #tpu.memory_space<vmem>>, vector<5120x128xf32>
    %get3A_4 = arith.constant 0 : index
    %get3A_5 = arith.constant 0 : index
    %get3A_6 = vector.load %arg2[%get3A_4, %get3A_5] : memref<5120x128xf32, #tpu.memory_space<vmem>>, vector<5120x128xf32>
    %get3A_7 = arith.constant 0 : index
    %get3A_8 = arith.constant 0 : index
    %get3A_9 = vector.load %arg3[%get3A_7, %get3A_8] : memref<5120x1xi32, #tpu.memory_space<vmem>>, vector<5120x1xi32>
    %eq3A_10 = arith.constant 1 : i32
    %eq3A_11 = vector.broadcast %eq3A_10 : i32 to vector<5120x1xi32>
    %eq3A_12 = arith.cmpi eq, %get3A_9, %eq3A_11 : vector<5120x1xi32>
    %slice3A = vector.extract_strided_slice %get3A_3 {offsets = [0, 64], sizes = [5120, 64], strides = [1, 1]} : vector<5120x128xf32> to vector<5120x64xf32>
    %slice3A_13 = vector.extract_strided_slice %get3A_3 {offsets = [0, 0], sizes = [5120, 64], strides = [1, 1]} : vector<5120x128xf32> to vector<5120x64xf32>
    %broadcast_in_dim3A = vector.shape_cast %eq3A_12 : vector<5120x1xi1> to vector<5120x1xi1>
    %broadcast_in_dim3A_14 = vector.broadcast %broadcast_in_dim3A : vector<5120x1xi1> to vector<5120x64xi1>
    %select_n3A = arith.select %broadcast_in_dim3A_14, %slice3A, %slice3A_13 : vector<5120x64xi1>, vector<5120x64xf32>
    %get3A_15 = arith.constant 0 : index
    %get3A_16 = arith.constant 0 : index
    %get3A_17 = vector.load %arg4[%get3A_15, %get3A_16] : memref<5120x1xi32, #tpu.memory_space<vmem>>, vector<5120x1xi32>
    %eq3A_18 = arith.constant 1 : i32
    %eq3A_19 = vector.broadcast %eq3A_18 : i32 to vector<5120x1xi32>
    %eq3A_20 = arith.cmpi eq, %get3A_17, %eq3A_19 : vector<5120x1xi32>
    %slice3A_21 = vector.extract_strided_slice %get3A_6 {offsets = [0, 64], sizes = [5120, 64], strides = [1, 1]} : vector<5120x128xf32> to vector<5120x64xf32>
    %slice3A_22 = vector.extract_strided_slice %get3A_6 {offsets = [0, 0], sizes = [5120, 64], strides = [1, 1]} : vector<5120x128xf32> to vector<5120x64xf32>
    %broadcast_in_dim3A_23 = vector.shape_cast %eq3A_20 : vector<5120x1xi1> to vector<5120x1xi1>
    %broadcast_in_dim3A_24 = vector.broadcast %broadcast_in_dim3A_23 : vector<5120x1xi1> to vector<5120x64xi1>
    %select_n3A_25 = arith.select %broadcast_in_dim3A_24, %slice3A_21, %slice3A_22 : vector<5120x64xi1>, vector<5120x64xf32>
    %add3A = arith.addf %select_n3A_25, %select_n3A : vector<5120x64xf32>
    %get3A_26 = arith.constant 0 : index
    %get3A_27 = arith.constant 0 : index
    %get3A_28 = vector.load %arg5[%get3A_26, %get3A_27] : memref<128x64xf32, #tpu.memory_space<vmem>>, vector<128x64xf32>
    %get3A_29 = arith.constant 0 : index
    %get3A_30 = arith.constant 0 : index
    %get3A_31 = vector.load %arg6[%get3A_29, %get3A_30] : memref<128x1xf32, #tpu.memory_space<vmem>>, vector<128x1xf32>
    %get3A_32 = arith.constant 0 : index
    %get3A_33 = arith.constant 0 : index
    %get3A_34 = vector.load %arg7[%get3A_32, %get3A_33] : memref<128x128xf32, #tpu.memory_space<vmem>>, vector<128x128xf32>
    %dot_general3A = arith.constant dense<0.000000e+00> : vector<128x5120xf32>
    %dot_general3A_35 = tpu.matmul %get3A_28, %add3A, %dot_general3A {dimension_numbers = #tpu.dot_dimension_numbers<[1], [1], [0], [0], [0, 0, 1, 0], [], []>, transpose_lhs_hint = false} : vector<128x64xf32>, vector<5120x64xf32>, vector<128x5120xf32> -> vector<128x5120xf32>
    %sub3A = vector.broadcast %get3A_31 : vector<128x1xf32> to vector<128x5120xf32>
    %sub3A_36 = arith.subf %dot_general3A_35, %sub3A : vector<128x5120xf32>
    %gt3A = arith.constant 0.000000e+00 : f32
    %gt3A_37 = vector.broadcast %gt3A : f32 to vector<128x5120xf32>
    %gt3A_38 = arith.cmpf ogt, %sub3A_36, %gt3A_37 : vector<128x5120xf32>
    %jit3A = arith.constant 1.000000e+00 : f32
    %jit3A_39 = arith.constant -1.000000e+00 : f32
    %broadcast_in_dim3A_40 = vector.broadcast %jit3A : f32 to vector<128x5120xf32>
    %broadcast_in_dim3A_41 = vector.broadcast %jit3A_39 : f32 to vector<128x5120xf32>
    %select_n3A_42 = arith.select %gt3A_38, %broadcast_in_dim3A_40, %broadcast_in_dim3A_41 : vector<128x5120xi1>, vector<128x5120xf32>
    %dot_general3A_43 = arith.constant dense<0.000000e+00> : vector<128x5120xf32>
    %dot_general3A_44 = tpu.matmul %get3A_34, %select_n3A_42, %dot_general3A_43 {dimension_numbers = #tpu.dot_dimension_numbers<[1], [0], [0], [1], [0, 0, 1, 1], [], []>, transpose_lhs_hint = false} : vector<128x128xf32>, vector<128x5120xf32>, vector<128x5120xf32> -> vector<128x5120xf32>
    %reshape3A = vector.shape_cast %dot_general3A_44 : vector<128x5120xf32> to vector<8x16x5120xf32>
    %slice3A_45 = vector.extract_strided_slice %reshape3A {offsets = [0, 0, 0], sizes = [8, 8, 5120], strides = [1, 1, 1]} : vector<8x16x5120xf32> to vector<8x8x5120xf32>
    %slice3A_46 = vector.extract_strided_slice %reshape3A {offsets = [0, 8, 0], sizes = [8, 8, 5120], strides = [1, 1, 1]} : vector<8x16x5120xf32> to vector<8x8x5120xf32>
    %max3A = arith.maximumf %slice3A_45, %slice3A_46 : vector<8x8x5120xf32>
    %slice3A_47 = vector.extract_strided_slice %max3A {offsets = [0, 0, 0], sizes = [8, 4, 5120], strides = [1, 1, 1]} : vector<8x8x5120xf32> to vector<8x4x5120xf32>
    %slice3A_48 = vector.extract_strided_slice %max3A {offsets = [0, 4, 0], sizes = [8, 4, 5120], strides = [1, 1, 1]} : vector<8x8x5120xf32> to vector<8x4x5120xf32>
    %max3A_49 = arith.maximumf %slice3A_47, %slice3A_48 : vector<8x4x5120xf32>
    %slice3A_50 = vector.extract_strided_slice %max3A_49 {offsets = [0, 0, 0], sizes = [8, 2, 5120], strides = [1, 1, 1]} : vector<8x4x5120xf32> to vector<8x2x5120xf32>
    %slice3A_51 = vector.extract_strided_slice %max3A_49 {offsets = [0, 2, 0], sizes = [8, 2, 5120], strides = [1, 1, 1]} : vector<8x4x5120xf32> to vector<8x2x5120xf32>
    %max3A_52 = arith.maximumf %slice3A_50, %slice3A_51 : vector<8x2x5120xf32>
    %slice3A_53 = vector.extract_strided_slice %max3A_52 {offsets = [0, 0, 0], sizes = [8, 1, 5120], strides = [1, 1, 1]} : vector<8x2x5120xf32> to vector<8x1x5120xf32>
    %slice3A_54 = vector.extract_strided_slice %max3A_52 {offsets = [0, 1, 0], sizes = [8, 1, 5120], strides = [1, 1, 1]} : vector<8x2x5120xf32> to vector<8x1x5120xf32>
    %max3A_55 = arith.maximumf %slice3A_53, %slice3A_54 : vector<8x1x5120xf32>
    %iota3A = tpu.iota {dimensions = array<i32: 1>} : vector<8x16x5120xi32>
    %eq3A_56 = vector.broadcast %max3A_55 : vector<8x1x5120xf32> to vector<8x16x5120xf32>
    %eq3A_57 = arith.cmpf oeq, %reshape3A, %eq3A_56 : vector<8x16x5120xf32>
    %jit3A_58 = arith.constant 16 : i32
    %broadcast_in_dim3A_59 = vector.broadcast %jit3A_58 : i32 to vector<8x16x5120xi32>
    %select_n3A_60 = arith.select %eq3A_57, %iota3A, %broadcast_in_dim3A_59 : vector<8x16x5120xi1>, vector<8x16x5120xi32>
    %slice3A_61 = vector.extract_strided_slice %select_n3A_60 {offsets = [0, 0, 0], sizes = [8, 8, 5120], strides = [1, 1, 1]} : vector<8x16x5120xi32> to vector<8x8x5120xi32>
    %slice3A_62 = vector.extract_strided_slice %select_n3A_60 {offsets = [0, 8, 0], sizes = [8, 8, 5120], strides = [1, 1, 1]} : vector<8x16x5120xi32> to vector<8x8x5120xi32>
    %min3A = arith.minsi %slice3A_61, %slice3A_62 : vector<8x8x5120xi32>
    %slice3A_63 = vector.extract_strided_slice %min3A {offsets = [0, 0, 0], sizes = [8, 4, 5120], strides = [1, 1, 1]} : vector<8x8x5120xi32> to vector<8x4x5120xi32>
    %slice3A_64 = vector.extract_strided_slice %min3A {offsets = [0, 4, 0], sizes = [8, 4, 5120], strides = [1, 1, 1]} : vector<8x8x5120xi32> to vector<8x4x5120xi32>
    %min3A_65 = arith.minsi %slice3A_63, %slice3A_64 : vector<8x4x5120xi32>
    %slice3A_66 = vector.extract_strided_slice %min3A_65 {offsets = [0, 0, 0], sizes = [8, 2, 5120], strides = [1, 1, 1]} : vector<8x4x5120xi32> to vector<8x2x5120xi32>
    %slice3A_67 = vector.extract_strided_slice %min3A_65 {offsets = [0, 2, 0], sizes = [8, 2, 5120], strides = [1, 1, 1]} : vector<8x4x5120xi32> to vector<8x2x5120xi32>
    %min3A_68 = arith.minsi %slice3A_66, %slice3A_67 : vector<8x2x5120xi32>
    %slice3A_69 = vector.extract_strided_slice %min3A_68 {offsets = [0, 0, 0], sizes = [8, 1, 5120], strides = [1, 1, 1]} : vector<8x2x5120xi32> to vector<8x1x5120xi32>
    %slice3A_70 = vector.extract_strided_slice %min3A_68 {offsets = [0, 1, 0], sizes = [8, 1, 5120], strides = [1, 1, 1]} : vector<8x2x5120xi32> to vector<8x1x5120xi32>
    %min3A_71 = arith.minsi %slice3A_69, %slice3A_70 : vector<8x1x5120xi32>
    %eq3A_72 = vector.broadcast %min3A_71 : vector<8x1x5120xi32> to vector<8x16x5120xi32>
    %eq3A_73 = arith.cmpi eq, %iota3A, %eq3A_72 : vector<8x16x5120xi32>
    %convert_element_type3A_74 = arith.extui %eq3A_73 : vector<8x16x5120xi1> to vector<8x16x5120xi32>
    %convert_element_type3A_75 = arith.sitofp %convert_element_type3A_74 : vector<8x16x5120xi32> to vector<8x16x5120xf32>
    %reshape3A_76 = vector.shape_cast %convert_element_type3A_75 : vector<8x16x5120xf32> to vector<128x5120xf32>
    %get3A_77 = arith.constant 0 : index
    %get3A_78 = arith.constant 0 : index
    %get3A_79 = vector.load %arg8[%get3A_77, %get3A_78] : memref<64x128xf32, #tpu.memory_space<vmem>>, vector<64x128xf32>
    %dot_general3A_80 = arith.constant dense<0.000000e+00> : vector<64x5120xf32>
    %dot_general3A_81 = tpu.matmul %get3A_79, %reshape3A_76, %dot_general3A_80 {dimension_numbers = #tpu.dot_dimension_numbers<[1], [0], [0], [1], [0, 0, 1, 1], [], []>, transpose_lhs_hint = false} : vector<64x128xf32>, vector<128x5120xf32>, vector<64x5120xf32> -> vector<64x5120xf32>
    %swap3A = arith.constant 0 : index
    %swap3A_82 = arith.constant 0 : index
    %swap3A_83 = vector.load %arg20[%swap3A, %swap3A_82] : memref<64x5120xf32, #tpu.memory_space<vmem>>, vector<64x5120xf32>
    tpu.vector_store %arg20[%swap3A, %swap3A_82], %dot_general3A_81 {strides = array<i32>} : memref<64x5120xf32, #tpu.memory_space<vmem>>, vector<64x5120xf32>,
    %get3A_84 = arith.constant 0 : index
    %get3A_85 = arith.constant 0 : index
    %get3A_86 = vector.load %arg9[%get3A_84, %get3A_85] : memref<128x64xf32, #tpu.memory_space<vmem>>, vector<128x64xf32>
    %get3A_87 = arith.constant 0 : index
    %get3A_88 = arith.constant 0 : index
    %get3A_89 = vector.load %arg10[%get3A_87, %get3A_88] : memref<128x1xf32, #tpu.memory_space<vmem>>, vector<128x1xf32>
    %get3A_90 = arith.constant 0 : index
    %get3A_91 = arith.constant 0 : index
    %get3A_92 = vector.load %arg11[%get3A_90, %get3A_91] : memref<128x128xf32, #tpu.memory_space<vmem>>, vector<128x128xf32>
    %get3A_93 = arith.constant 0 : index
    %get3A_94 = arith.constant 0 : index
    %get3A_95 = vector.load %arg12[%get3A_93, %get3A_94] : memref<64x128xf32, #tpu.memory_space<vmem>>, vector<64x128xf32>
    %get3A_96 = arith.constant 0 : index
    %get3A_97 = arith.constant 0 : index
    %get3A_98 = vector.load %arg20[%get3A_96, %get3A_97] : memref<64x5120xf32, #tpu.memory_space<vmem>>, vector<64x1024xf32>
    %get3A_99 = arith.constant 0 : index
    %get3A_100 = arith.constant 0 : index
    %get3A_101 = vector.load %arg19[%get3A_99, %get3A_100] : memref<64x1024xf32, #tpu.memory_space<vmem>>, vector<64x1024xf32>
    %dot_general3A_102 = arith.constant dense<0.000000e+00> : vector<128x1024xf32>
    %dot_general3A_103 = tpu.matmul %get3A_86, %get3A_101, %dot_general3A_102 {dimension_numbers = #tpu.dot_dimension_numbers<[1], [0], [0], [1], [0, 0, 1, 1], [], []>, transpose_lhs_hint = false} : vector<128x64xf32>, vector<64x1024xf32>, vector<128x1024xf32> -> vector<128x1024xf32>
    %sub3A_104 = vector.broadcast %get3A_89 : vector<128x1xf32> to vector<128x1024xf32>
    %sub3A_105 = arith.subf %dot_general3A_103, %sub3A_104 : vector<128x1024xf32>
    %gt3A_106 = arith.constant 0.000000e+00 : f32
    %gt3A_107 = vector.broadcast %gt3A_106 : f32 to vector<128x1024xf32>
    %gt3A_108 = arith.cmpf ogt, %sub3A_105, %gt3A_107 : vector<128x1024xf32>
    %jit3A_109 = arith.constant 1.000000e+00 : f32
    %jit3A_110 = arith.constant -1.000000e+00 : f32
    %broadcast_in_dim3A_111 = vector.broadcast %jit3A_109 : f32 to vector<128x1024xf32>
    %broadcast_in_dim3A_112 = vector.broadcast %jit3A_110 : f32 to vector<128x1024xf32>
    %select_n3A_113 = arith.select %gt3A_108, %broadcast_in_dim3A_111, %broadcast_in_dim3A_112 : vector<128x1024xi1>, vector<128x1024xf32>
    %dot_general3A_114 = arith.constant dense<0.000000e+00> : vector<128x1024xf32>
    %dot_general3A_115 = tpu.matmul %get3A_92, %select_n3A_113, %dot_general3A_114 {dimension_numbers = #tpu.dot_dimension_numbers<[1], [0], [0], [1], [0, 0, 1, 1], [], []>, transpose_lhs_hint = false} : vector<128x128xf32>, vector<128x1024xf32>, vector<128x1024xf32> -> vector<128x1024xf32>
    %reshape3A_116 = vector.shape_cast %dot_general3A_115 : vector<128x1024xf32> to vector<8x16x1024xf32>
    %slice3A_117 = vector.extract_strided_slice %reshape3A_116 {offsets = [0, 0, 0], sizes = [8, 8, 1024], strides = [1, 1, 1]} : vector<8x16x1024xf32> to vector<8x8x1024xf32>
    %slice3A_118 = vector.extract_strided_slice %reshape3A_116 {offsets = [0, 8, 0], sizes = [8, 8, 1024], strides = [1, 1, 1]} : vector<8x16x1024xf32> to vector<8x8x1024xf32>
    %max3A_119 = arith.maximumf %slice3A_117, %slice3A_118 : vector<8x8x1024xf32>
    %slice3A_120 = vector.extract_strided_slice %max3A_119 {offsets = [0, 0, 0], sizes = [8, 4, 1024], strides = [1, 1, 1]} : vector<8x8x1024xf32> to vector<8x4x1024xf32>
    %slice3A_121 = vector.extract_strided_slice %max3A_119 {offsets = [0, 4, 0], sizes = [8, 4, 1024], strides = [1, 1, 1]} : vector<8x8x1024xf32> to vector<8x4x1024xf32>
    %max3A_122 = arith.maximumf %slice3A_120, %slice3A_121 : vector<8x4x1024xf32>
    %slice3A_123 = vector.extract_strided_slice %max3A_122 {offsets = [0, 0, 0], sizes = [8, 2, 1024], strides = [1, 1, 1]} : vector<8x4x1024xf32> to vector<8x2x1024xf32>
    %slice3A_124 = vector.extract_strided_slice %max3A_122 {offsets = [0, 2, 0], sizes = [8, 2, 1024], strides = [1, 1, 1]} : vector<8x4x1024xf32> to vector<8x2x1024xf32>
    %max3A_125 = arith.maximumf %slice3A_123, %slice3A_124 : vector<8x2x1024xf32>
    %slice3A_126 = vector.extract_strided_slice %max3A_125 {offsets = [0, 0, 0], sizes = [8, 1, 1024], strides = [1, 1, 1]} : vector<8x2x1024xf32> to vector<8x1x1024xf32>
    %slice3A_127 = vector.extract_strided_slice %max3A_125 {offsets = [0, 1, 0], sizes = [8, 1, 1024], strides = [1, 1, 1]} : vector<8x2x1024xf32> to vector<8x1x1024xf32>
    %max3A_128 = arith.maximumf %slice3A_126, %slice3A_127 : vector<8x1x1024xf32>
    %iota3A_129 = tpu.iota {dimensions = array<i32: 1>} : vector<8x16x1024xi32>
    %eq3A_130 = vector.broadcast %max3A_128 : vector<8x1x1024xf32> to vector<8x16x1024xf32>
    %eq3A_131 = arith.cmpf oeq, %reshape3A_116, %eq3A_130 : vector<8x16x1024xf32>
    %jit3A_132 = arith.constant 16 : i32
    %broadcast_in_dim3A_133 = vector.broadcast %jit3A_132 : i32 to vector<8x16x1024xi32>
    %select_n3A_134 = arith.select %eq3A_131, %iota3A_129, %broadcast_in_dim3A_133 : vector<8x16x1024xi1>, vector<8x16x1024xi32>
    %slice3A_135 = vector.extract_strided_slice %select_n3A_134 {offsets = [0, 0, 0], sizes = [8, 8, 1024], strides = [1, 1, 1]} : vector<8x16x1024xi32> to vector<8x8x1024xi32>
    %slice3A_136 = vector.extract_strided_slice %select_n3A_134 {offsets = [0, 8, 0], sizes = [8, 8, 1024], strides = [1, 1, 1]} : vector<8x16x1024xi32> to vector<8x8x1024xi32>
    %min3A_137 = arith.minsi %slice3A_135, %slice3A_136 : vector<8x8x1024xi32>
    %slice3A_138 = vector.extract_strided_slice %min3A_137 {offsets = [0, 0, 0], sizes = [8, 4, 1024], strides = [1, 1, 1]} : vector<8x8x1024xi32> to vector<8x4x1024xi32>
    %slice3A_139 = vector.extract_strided_slice %min3A_137 {offsets = [0, 4, 0], sizes = [8, 4, 1024], strides = [1, 1, 1]} : vector<8x8x1024xi32> to vector<8x4x1024xi32>
    %min3A_140 = arith.minsi %slice3A_138, %slice3A_139 : vector<8x4x1024xi32>
    %slice3A_141 = vector.extract_strided_slice %min3A_140 {offsets = [0, 0, 0], sizes = [8, 2, 1024], strides = [1, 1, 1]} : vector<8x4x1024xi32> to vector<8x2x1024xi32>
    %slice3A_142 = vector.extract_strided_slice %min3A_140 {offsets = [0, 2, 0], sizes = [8, 2, 1024], strides = [1, 1, 1]} : vector<8x4x1024xi32> to vector<8x2x1024xi32>
    %min3A_143 = arith.minsi %slice3A_141, %slice3A_142 : vector<8x2x1024xi32>
    %slice3A_144 = vector.extract_strided_slice %min3A_143 {offsets = [0, 0, 0], sizes = [8, 1, 1024], strides = [1, 1, 1]} : vector<8x2x1024xi32> to vector<8x1x1024xi32>
    %slice3A_145 = vector.extract_strided_slice %min3A_143 {offsets = [0, 1, 0], sizes = [8, 1, 1024], strides = [1, 1, 1]} : vector<8x2x1024xi32> to vector<8x1x1024xi32>
    %min3A_146 = arith.minsi %slice3A_144, %slice3A_145 : vector<8x1x1024xi32>
    %eq3A_147 = vector.broadcast %min3A_146 : vector<8x1x1024xi32> to vector<8x16x1024xi32>
    %eq3A_148 = arith.cmpi eq, %iota3A_129, %eq3A_147 : vector<8x16x1024xi32>
    %convert_element_type3A_149 = arith.extui %eq3A_148 : vector<8x16x1024xi1> to vector<8x16x1024xi32>
    %convert_element_type3A_150 = arith.sitofp %convert_element_type3A_149 : vector<8x16x1024xi32> to vector<8x16x1024xf32>
    %reshape3A_151 = vector.shape_cast %convert_element_type3A_150 : vector<8x16x1024xf32> to vector<128x1024xf32>
    %dot_general3A_152 = arith.constant dense<0.000000e+00> : vector<64x1024xf32>
    %dot_general3A_153 = tpu.matmul %get3A_95, %reshape3A_151, %dot_general3A_152 {dimension_numbers = #tpu.dot_dimension_numbers<[1], [0], [0], [1], [0, 0, 1, 1], [], []>, transpose_lhs_hint = false} : vector<64x128xf32>, vector<128x1024xf32>, vector<64x1024xf32> -> vector<64x1024xf32>
    %add3A_154 = arith.addf %get3A_98, %dot_general3A_153 : vector<64x1024xf32>
    %swap3A_155 = arith.constant 0 : index
    %swap3A_156 = arith.constant 0 : index
    %swap3A_157 = vector.load %arg19[%swap3A_155, %swap3A_156] : memref<64x1024xf32, #tpu.memory_space<vmem>>, vector<64x1024xf32>
    tpu.vector_store %arg19[%swap3A_155, %swap3A_156], %add3A_154 {strides = array<i32>} : memref<64x1024xf32, #tpu.memory_space<vmem>>, vector<64x1024xf32>,
    %get3A_158 = arith.constant 0 : index
    %get3A_159 = arith.constant 1024 : index
    %get3A_160 = vector.load %arg20[%get3A_158, %get3A_159] : memref<64x5120xf32, #tpu.memory_space<vmem>>, vector<64x1024xf32>
    %get3A_161 = arith.constant 0 : index
    %get3A_162 = arith.constant 0 : index
    %get3A_163 = vector.load %arg19[%get3A_161, %get3A_162] : memref<64x1024xf32, #tpu.memory_space<vmem>>, vector<64x1024xf32>
    %dot_general3A_164 = arith.constant dense<0.000000e+00> : vector<128x1024xf32>
    %dot_general3A_165 = tpu.matmul %get3A_86, %get3A_163, %dot_general3A_164 {dimension_numbers = #tpu.dot_dimension_numbers<[1], [0], [0], [1], [0, 0, 1, 1], [], []>, transpose_lhs_hint = false} : vector<128x64xf32>, vector<64x1024xf32>, vector<128x1024xf32> -> vector<128x1024xf32>
    %sub3A_166 = vector.broadcast %get3A_89 : vector<128x1xf32> to vector<128x1024xf32>
    %sub3A_167 = arith.subf %dot_general3A_165, %sub3A_166 : vector<128x1024xf32>
    %gt3A_168 = arith.constant 0.000000e+00 : f32
    %gt3A_169 = vector.broadcast %gt3A_168 : f32 to vector<128x1024xf32>
    %gt3A_170 = arith.cmpf ogt, %sub3A_167, %gt3A_169 : vector<128x1024xf32>
    %jit3A_171 = arith.constant 1.000000e+00 : f32
    %jit3A_172 = arith.constant -1.000000e+00 : f32
    %broadcast_in_dim3A_173 = vector.broadcast %jit3A_171 : f32 to vector<128x1024xf32>
    %broadcast_in_dim3A_174 = vector.broadcast %jit3A_172 : f32 to vector<128x1024xf32>
    %select_n3A_175 = arith.select %gt3A_170, %broadcast_in_dim3A_173, %broadcast_in_dim3A_174 : vector<128x1024xi1>, vector<128x1024xf32>
    %dot_general3A_176 = arith.constant dense<0.000000e+00> : vector<128x1024xf32>
    %dot_general3A_177 = tpu.matmul %get3A_92, %select_n3A_175, %dot_general3A_176 {dimension_numbers = #tpu.dot_dimension_numbers<[1], [0], [0], [1], [0, 0, 1, 1], [], []>, transpose_lhs_hint = false} : vector<128x128xf32>, vector<128x1024xf32>, vector<128x1024xf32> -> vector<128x1024xf32>
    %reshape3A_178 = vector.shape_cast %dot_general3A_177 : vector<128x1024xf32> to vector<8x16x1024xf32>
    %slice3A_179 = vector.extract_strided_slice %reshape3A_178 {offsets = [0, 0, 0], sizes = [8, 8, 1024], strides = [1, 1, 1]} : vector<8x16x1024xf32> to vector<8x8x1024xf32>
    %slice3A_180 = vector.extract_strided_slice %reshape3A_178 {offsets = [0, 8, 0], sizes = [8, 8, 1024], strides = [1, 1, 1]} : vector<8x16x1024xf32> to vector<8x8x1024xf32>
    %max3A_181 = arith.maximumf %slice3A_179, %slice3A_180 : vector<8x8x1024xf32>
    %slice3A_182 = vector.extract_strided_slice %max3A_181 {offsets = [0, 0, 0], sizes = [8, 4, 1024], strides = [1, 1, 1]} : vector<8x8x1024xf32> to vector<8x4x1024xf32>
    %slice3A_183 = vector.extract_strided_slice %max3A_181 {offsets = [0, 4, 0], sizes = [8, 4, 1024], strides = [1, 1, 1]} : vector<8x8x1024xf32> to vector<8x4x1024xf32>
    %max3A_184 = arith.maximumf %slice3A_182, %slice3A_183 : vector<8x4x1024xf32>
    %slice3A_185 = vector.extract_strided_slice %max3A_184 {offsets = [0, 0, 0], sizes = [8, 2, 1024], strides = [1, 1, 1]} : vector<8x4x1024xf32> to vector<8x2x1024xf32>
    %slice3A_186 = vector.extract_strided_slice %max3A_184 {offsets = [0, 2, 0], sizes = [8, 2, 1024], strides = [1, 1, 1]} : vector<8x4x1024xf32> to vector<8x2x1024xf32>
    %max3A_187 = arith.maximumf %slice3A_185, %slice3A_186 : vector<8x2x1024xf32>
    %slice3A_188 = vector.extract_strided_slice %max3A_187 {offsets = [0, 0, 0], sizes = [8, 1, 1024], strides = [1, 1, 1]} : vector<8x2x1024xf32> to vector<8x1x1024xf32>
    %slice3A_189 = vector.extract_strided_slice %max3A_187 {offsets = [0, 1, 0], sizes = [8, 1, 1024], strides = [1, 1, 1]} : vector<8x2x1024xf32> to vector<8x1x1024xf32>
    %max3A_190 = arith.maximumf %slice3A_188, %slice3A_189 : vector<8x1x1024xf32>
    %iota3A_191 = tpu.iota {dimensions = array<i32: 1>} : vector<8x16x1024xi32>
    %eq3A_192 = vector.broadcast %max3A_190 : vector<8x1x1024xf32> to vector<8x16x1024xf32>
    %eq3A_193 = arith.cmpf oeq, %reshape3A_178, %eq3A_192 : vector<8x16x1024xf32>
    %jit3A_194 = arith.constant 16 : i32
    %broadcast_in_dim3A_195 = vector.broadcast %jit3A_194 : i32 to vector<8x16x1024xi32>
    %select_n3A_196 = arith.select %eq3A_193, %iota3A_191, %broadcast_in_dim3A_195 : vector<8x16x1024xi1>, vector<8x16x1024xi32>
    %slice3A_197 = vector.extract_strided_slice %select_n3A_196 {offsets = [0, 0, 0], sizes = [8, 8, 1024], strides = [1, 1, 1]} : vector<8x16x1024xi32> to vector<8x8x1024xi32>
    %slice3A_198 = vector.extract_strided_slice %select_n3A_196 {offsets = [0, 8, 0], sizes = [8, 8, 1024], strides = [1, 1, 1]} : vector<8x16x1024xi32> to vector<8x8x1024xi32>
    %min3A_199 = arith.minsi %slice3A_197, %slice3A_198 : vector<8x8x1024xi32>
    %slice3A_200 = vector.extract_strided_slice %min3A_199 {offsets = [0, 0, 0], sizes = [8, 4, 1024], strides = [1, 1, 1]} : vector<8x8x1024xi32> to vector<8x4x1024xi32>
    %slice3A_201 = vector.extract_strided_slice %min3A_199 {offsets = [0, 4, 0], sizes = [8, 4, 1024], strides = [1, 1, 1]} : vector<8x8x1024xi32> to vector<8x4x1024xi32>
    %min3A_202 = arith.minsi %slice3A_200, %slice3A_201 : vector<8x4x1024xi32>
    %slice3A_203 = vector.extract_strided_slice %min3A_202 {offsets = [0, 0, 0], sizes = [8, 2, 1024], strides = [1, 1, 1]} : vector<8x4x1024xi32> to vector<8x2x1024xi32>
    %slice3A_204 = vector.extract_strided_slice %min3A_202 {offsets = [0, 2, 0], sizes = [8, 2, 1024], strides = [1, 1, 1]} : vector<8x4x1024xi32> to vector<8x2x1024xi32>
    %min3A_205 = arith.minsi %slice3A_203, %slice3A_204 : vector<8x2x1024xi32>
    %slice3A_206 = vector.extract_strided_slice %min3A_205 {offsets = [0, 0, 0], sizes = [8, 1, 1024], strides = [1, 1, 1]} : vector<8x2x1024xi32> to vector<8x1x1024xi32>
    %slice3A_207 = vector.extract_strided_slice %min3A_205 {offsets = [0, 1, 0], sizes = [8, 1, 1024], strides = [1, 1, 1]} : vector<8x2x1024xi32> to vector<8x1x1024xi32>
    %min3A_208 = arith.minsi %slice3A_206, %slice3A_207 : vector<8x1x1024xi32>
    %eq3A_209 = vector.broadcast %min3A_208 : vector<8x1x1024xi32> to vector<8x16x1024xi32>
    %eq3A_210 = arith.cmpi eq, %iota3A_191, %eq3A_209 : vector<8x16x1024xi32>
    %convert_element_type3A_211 = arith.extui %eq3A_210 : vector<8x16x1024xi1> to vector<8x16x1024xi32>
    %convert_element_type3A_212 = arith.sitofp %convert_element_type3A_211 : vector<8x16x1024xi32> to vector<8x16x1024xf32>
    %reshape3A_213 = vector.shape_cast %convert_element_type3A_212 : vector<8x16x1024xf32> to vector<128x1024xf32>
    %dot_general3A_214 = arith.constant dense<0.000000e+00> : vector<64x1024xf32>
    %dot_general3A_215 = tpu.matmul %get3A_95, %reshape3A_213, %dot_general3A_214 {dimension_numbers = #tpu.dot_dimension_numbers<[1], [0], [0], [1], [0, 0, 1, 1], [], []>, transpose_lhs_hint = false} : vector<64x128xf32>, vector<128x1024xf32>, vector<64x1024xf32> -> vector<64x1024xf32>
    %add3A_216 = arith.addf %get3A_160, %dot_general3A_215 : vector<64x1024xf32>
    %swap3A_217 = arith.constant 0 : index
    %swap3A_218 = arith.constant 0 : index
    %swap3A_219 = vector.load %arg19[%swap3A_217, %swap3A_218] : memref<64x1024xf32, #tpu.memory_space<vmem>>, vector<64x1024xf32>
    tpu.vector_store %arg19[%swap3A_217, %swap3A_218], %add3A_216 {strides = array<i32>} : memref<64x1024xf32, #tpu.memory_space<vmem>>, vector<64x1024xf32>,
    %get3A_220 = arith.constant 0 : index
    %get3A_221 = arith.constant 2048 : index
    %get3A_222 = vector.load %arg20[%get3A_220, %get3A_221] : memref<64x5120xf32, #tpu.memory_space<vmem>>, vector<64x1024xf32>
    %get3A_223 = arith.constant 0 : index
    %get3A_224 = arith.constant 0 : index
    %get3A_225 = vector.load %arg19[%get3A_223, %get3A_224] : memref<64x1024xf32, #tpu.memory_space<vmem>>, vector<64x1024xf32>
    %dot_general3A_226 = arith.constant dense<0.000000e+00> : vector<128x1024xf32>
    %dot_general3A_227 = tpu.matmul %get3A_86, %get3A_225, %dot_general3A_226 {dimension_numbers = #tpu.dot_dimension_numbers<[1], [0], [0], [1], [0, 0, 1, 1], [], []>, transpose_lhs_hint = false} : vector<128x64xf32>, vector<64x1024xf32>, vector<128x1024xf32> -> vector<128x1024xf32>
    %sub3A_228 = vector.broadcast %get3A_89 : vector<128x1xf32> to vector<128x1024xf32>
    %sub3A_229 = arith.subf %dot_general3A_227, %sub3A_228 : vector<128x1024xf32>
    %gt3A_230 = arith.constant 0.000000e+00 : f32
    %gt3A_231 = vector.broadcast %gt3A_230 : f32 to vector<128x1024xf32>
    %gt3A_232 = arith.cmpf ogt, %sub3A_229, %gt3A_231 : vector<128x1024xf32>
    %jit3A_233 = arith.constant 1.000000e+00 : f32
    %jit3A_234 = arith.constant -1.000000e+00 : f32
    %broadcast_in_dim3A_235 = vector.broadcast %jit3A_233 : f32 to vector<128x1024xf32>
    %broadcast_in_dim3A_236 = vector.broadcast %jit3A_234 : f32 to vector<128x1024xf32>
    %select_n3A_237 = arith.select %gt3A_232, %broadcast_in_dim3A_235, %broadcast_in_dim3A_236 : vector<128x1024xi1>, vector<128x1024xf32>
    %dot_general3A_238 = arith.constant dense<0.000000e+00> : vector<128x1024xf32>
    %dot_general3A_239 = tpu.matmul %get3A_92, %select_n3A_237, %dot_general3A_238 {dimension_numbers = #tpu.dot_dimension_numbers<[1], [0], [0], [1], [0, 0, 1, 1], [], []>, transpose_lhs_hint = false} : vector<128x128xf32>, vector<128x1024xf32>, vector<128x1024xf32> -> vector<128x1024xf32>
    %reshape3A_240 = vector.shape_cast %dot_general3A_239 : vector<128x1024xf32> to vector<8x16x1024xf32>
    %slice3A_241 = vector.extract_strided_slice %reshape3A_240 {offsets = [0, 0, 0], sizes = [8, 8, 1024], strides = [1, 1, 1]} : vector<8x16x1024xf32> to vector<8x8x1024xf32>
    %slice3A_242 = vector.extract_strided_slice %reshape3A_240 {offsets = [0, 8, 0], sizes = [8, 8, 1024], strides = [1, 1, 1]} : vector<8x16x1024xf32> to vector<8x8x1024xf32>
    %max3A_243 = arith.maximumf %slice3A_241, %slice3A_242 : vector<8x8x1024xf32>
    %slice3A_244 = vector.extract_strided_slice %max3A_243 {offsets = [0, 0, 0], sizes = [8, 4, 1024], strides = [1, 1, 1]} : vector<8x8x1024xf32> to vector<8x4x1024xf32>
    %slice3A_245 = vector.extract_strided_slice %max3A_243 {offsets = [0, 4, 0], sizes = [8, 4, 1024], strides = [1, 1, 1]} : vector<8x8x1024xf32> to vector<8x4x1024xf32>
    %max3A_246 = arith.maximumf %slice3A_244, %slice3A_245 : vector<8x4x1024xf32>
    %slice3A_247 = vector.extract_strided_slice %max3A_246 {offsets = [0, 0, 0], sizes = [8, 2, 1024], strides = [1, 1, 1]} : vector<8x4x1024xf32> to vector<8x2x1024xf32>
    %slice3A_248 = vector.extract_strided_slice %max3A_246 {offsets = [0, 2, 0], sizes = [8, 2, 1024], strides = [1, 1, 1]} : vector<8x4x1024xf32> to vector<8x2x1024xf32>
    %max3A_249 = arith.maximumf %slice3A_247, %slice3A_248 : vector<8x2x1024xf32>
    %slice3A_250 = vector.extract_strided_slice %max3A_249 {offsets = [0, 0, 0], sizes = [8, 1, 1024], strides = [1, 1, 1]} : vector<8x2x1024xf32> to vector<8x1x1024xf32>
    %slice3A_251 = vector.extract_strided_slice %max3A_249 {offsets = [0, 1, 0], sizes = [8, 1, 1024], strides = [1, 1, 1]} : vector<8x2x1024xf32> to vector<8x1x1024xf32>
    %max3A_252 = arith.maximumf %slice3A_250, %slice3A_251 : vector<8x1x1024xf32>
    %iota3A_253 = tpu.iota {dimensions = array<i32: 1>} : vector<8x16x1024xi32>
    %eq3A_254 = vector.broadcast %max3A_252 : vector<8x1x1024xf32> to vector<8x16x1024xf32>
    %eq3A_255 = arith.cmpf oeq, %reshape3A_240, %eq3A_254 : vector<8x16x1024xf32>
    %jit3A_256 = arith.constant 16 : i32
    %broadcast_in_dim3A_257 = vector.broadcast %jit3A_256 : i32 to vector<8x16x1024xi32>
    %select_n3A_258 = arith.select %eq3A_255, %iota3A_253, %broadcast_in_dim3A_257 : vector<8x16x1024xi1>, vector<8x16x1024xi32>
    %slice3A_259 = vector.extract_strided_slice %select_n3A_258 {offsets = [0, 0, 0], sizes = [8, 8, 1024], strides = [1, 1, 1]} : vector<8x16x1024xi32> to vector<8x8x1024xi32>
    %slice3A_260 = vector.extract_strided_slice %select_n3A_258 {offsets = [0, 8, 0], sizes = [8, 8, 1024], strides = [1, 1, 1]} : vector<8x16x1024xi32> to vector<8x8x1024xi32>
    %min3A_261 = arith.minsi %slice3A_259, %slice3A_260 : vector<8x8x1024xi32>
    %slice3A_262 = vector.extract_strided_slice %min3A_261 {offsets = [0, 0, 0], sizes = [8, 4, 1024], strides = [1, 1, 1]} : vector<8x8x1024xi32> to vector<8x4x1024xi32>
    %slice3A_263 = vector.extract_strided_slice %min3A_261 {offsets = [0, 4, 0], sizes = [8, 4, 1024], strides = [1, 1, 1]} : vector<8x8x1024xi32> to vector<8x4x1024xi32>
    %min3A_264 = arith.minsi %slice3A_262, %slice3A_263 : vector<8x4x1024xi32>
    %slice3A_265 = vector.extract_strided_slice %min3A_264 {offsets = [0, 0, 0], sizes = [8, 2, 1024], strides = [1, 1, 1]} : vector<8x4x1024xi32> to vector<8x2x1024xi32>
    %slice3A_266 = vector.extract_strided_slice %min3A_264 {offsets = [0, 2, 0], sizes = [8, 2, 1024], strides = [1, 1, 1]} : vector<8x4x1024xi32> to vector<8x2x1024xi32>
    %min3A_267 = arith.minsi %slice3A_265, %slice3A_266 : vector<8x2x1024xi32>
    %slice3A_268 = vector.extract_strided_slice %min3A_267 {offsets = [0, 0, 0], sizes = [8, 1, 1024], strides = [1, 1, 1]} : vector<8x2x1024xi32> to vector<8x1x1024xi32>
    %slice3A_269 = vector.extract_strided_slice %min3A_267 {offsets = [0, 1, 0], sizes = [8, 1, 1024], strides = [1, 1, 1]} : vector<8x2x1024xi32> to vector<8x1x1024xi32>
    %min3A_270 = arith.minsi %slice3A_268, %slice3A_269 : vector<8x1x1024xi32>
    %eq3A_271 = vector.broadcast %min3A_270 : vector<8x1x1024xi32> to vector<8x16x1024xi32>
    %eq3A_272 = arith.cmpi eq, %iota3A_253, %eq3A_271 : vector<8x16x1024xi32>
    %convert_element_type3A_273 = arith.extui %eq3A_272 : vector<8x16x1024xi1> to vector<8x16x1024xi32>
    %convert_element_type3A_274 = arith.sitofp %convert_element_type3A_273 : vector<8x16x1024xi32> to vector<8x16x1024xf32>
    %reshape3A_275 = vector.shape_cast %convert_element_type3A_274 : vector<8x16x1024xf32> to vector<128x1024xf32>
    %dot_general3A_276 = arith.constant dense<0.000000e+00> : vector<64x1024xf32>
    %dot_general3A_277 = tpu.matmul %get3A_95, %reshape3A_275, %dot_general3A_276 {dimension_numbers = #tpu.dot_dimension_numbers<[1], [0], [0], [1], [0, 0, 1, 1], [], []>, transpose_lhs_hint = false} : vector<64x128xf32>, vector<128x1024xf32>, vector<64x1024xf32> -> vector<64x1024xf32>
    %add3A_278 = arith.addf %get3A_222, %dot_general3A_277 : vector<64x1024xf32>
    %swap3A_279 = arith.constant 0 : index
    %swap3A_280 = arith.constant 0 : index
    %swap3A_281 = vector.load %arg19[%swap3A_279, %swap3A_280] : memref<64x1024xf32, #tpu.memory_space<vmem>>, vector<64x1024xf32>
    tpu.vector_store %arg19[%swap3A_279, %swap3A_280], %add3A_278 {strides = array<i32>} : memref<64x1024xf32, #tpu.memory_space<vmem>>, vector<64x1024xf32>,
    %get3A_282 = arith.constant 0 : index
    %get3A_283 = arith.constant 3072 : index
    %get3A_284 = vector.load %arg20[%get3A_282, %get3A_283] : memref<64x5120xf32, #tpu.memory_space<vmem>>, vector<64x1024xf32>
    %get3A_285 = arith.constant 0 : index
    %get3A_286 = arith.constant 0 : index
    %get3A_287 = vector.load %arg19[%get3A_285, %get3A_286] : memref<64x1024xf32, #tpu.memory_space<vmem>>, vector<64x1024xf32>
    %dot_general3A_288 = arith.constant dense<0.000000e+00> : vector<128x1024xf32>
    %dot_general3A_289 = tpu.matmul %get3A_86, %get3A_287, %dot_general3A_288 {dimension_numbers = #tpu.dot_dimension_numbers<[1], [0], [0], [1], [0, 0, 1, 1], [], []>, transpose_lhs_hint = false} : vector<128x64xf32>, vector<64x1024xf32>, vector<128x1024xf32> -> vector<128x1024xf32>
    %sub3A_290 = vector.broadcast %get3A_89 : vector<128x1xf32> to vector<128x1024xf32>
    %sub3A_291 = arith.subf %dot_general3A_289, %sub3A_290 : vector<128x1024xf32>
    %gt3A_292 = arith.constant 0.000000e+00 : f32
    %gt3A_293 = vector.broadcast %gt3A_292 : f32 to vector<128x1024xf32>
    %gt3A_294 = arith.cmpf ogt, %sub3A_291, %gt3A_293 : vector<128x1024xf32>
    %jit3A_295 = arith.constant 1.000000e+00 : f32
    %jit3A_296 = arith.constant -1.000000e+00 : f32
    %broadcast_in_dim3A_297 = vector.broadcast %jit3A_295 : f32 to vector<128x1024xf32>
    %broadcast_in_dim3A_298 = vector.broadcast %jit3A_296 : f32 to vector<128x1024xf32>
    %select_n3A_299 = arith.select %gt3A_294, %broadcast_in_dim3A_297, %broadcast_in_dim3A_298 : vector<128x1024xi1>, vector<128x1024xf32>
    %dot_general3A_300 = arith.constant dense<0.000000e+00> : vector<128x1024xf32>
    %dot_general3A_301 = tpu.matmul %get3A_92, %select_n3A_299, %dot_general3A_300 {dimension_numbers = #tpu.dot_dimension_numbers<[1], [0], [0], [1], [0, 0, 1, 1], [], []>, transpose_lhs_hint = false} : vector<128x128xf32>, vector<128x1024xf32>, vector<128x1024xf32> -> vector<128x1024xf32>
    %reshape3A_302 = vector.shape_cast %dot_general3A_301 : vector<128x1024xf32> to vector<8x16x1024xf32>
    %slice3A_303 = vector.extract_strided_slice %reshape3A_302 {offsets = [0, 0, 0], sizes = [8, 8, 1024], strides = [1, 1, 1]} : vector<8x16x1024xf32> to vector<8x8x1024xf32>
    %slice3A_304 = vector.extract_strided_slice %reshape3A_302 {offsets = [0, 8, 0], sizes = [8, 8, 1024], strides = [1, 1, 1]} : vector<8x16x1024xf32> to vector<8x8x1024xf32>
    %max3A_305 = arith.maximumf %slice3A_303, %slice3A_304 : vector<8x8x1024xf32>
    %slice3A_306 = vector.extract_strided_slice %max3A_305 {offsets = [0, 0, 0], sizes = [8, 4, 1024], strides = [1, 1, 1]} : vector<8x8x1024xf32> to vector<8x4x1024xf32>
    %slice3A_307 = vector.extract_strided_slice %max3A_305 {offsets = [0, 4, 0], sizes = [8, 4, 1024], strides = [1, 1, 1]} : vector<8x8x1024xf32> to vector<8x4x1024xf32>
    %max3A_308 = arith.maximumf %slice3A_306, %slice3A_307 : vector<8x4x1024xf32>
    %slice3A_309 = vector.extract_strided_slice %max3A_308 {offsets = [0, 0, 0], sizes = [8, 2, 1024], strides = [1, 1, 1]} : vector<8x4x1024xf32> to vector<8x2x1024xf32>
    %slice3A_310 = vector.extract_strided_slice %max3A_308 {offsets = [0, 2, 0], sizes = [8, 2, 1024], strides = [1, 1, 1]} : vector<8x4x1024xf32> to vector<8x2x1024xf32>
    %max3A_311 = arith.maximumf %slice3A_309, %slice3A_310 : vector<8x2x1024xf32>
    %slice3A_312 = vector.extract_strided_slice %max3A_311 {offsets = [0, 0, 0], sizes = [8, 1, 1024], strides = [1, 1, 1]} : vector<8x2x1024xf32> to vector<8x1x1024xf32>
    %slice3A_313 = vector.extract_strided_slice %max3A_311 {offsets = [0, 1, 0], sizes = [8, 1, 1024], strides = [1, 1, 1]} : vector<8x2x1024xf32> to vector<8x1x1024xf32>
    %max3A_314 = arith.maximumf %slice3A_312, %slice3A_313 : vector<8x1x1024xf32>
    %iota3A_315 = tpu.iota {dimensions = array<i32: 1>} : vector<8x16x1024xi32>
    %eq3A_316 = vector.broadcast %max3A_314 : vector<8x1x1024xf32> to vector<8x16x1024xf32>
    %eq3A_317 = arith.cmpf oeq, %reshape3A_302, %eq3A_316 : vector<8x16x1024xf32>
    %jit3A_318 = arith.constant 16 : i32
    %broadcast_in_dim3A_319 = vector.broadcast %jit3A_318 : i32 to vector<8x16x1024xi32>
    %select_n3A_320 = arith.select %eq3A_317, %iota3A_315, %broadcast_in_dim3A_319 : vector<8x16x1024xi1>, vector<8x16x1024xi32>
    %slice3A_321 = vector.extract_strided_slice %select_n3A_320 {offsets = [0, 0, 0], sizes = [8, 8, 1024], strides = [1, 1, 1]} : vector<8x16x1024xi32> to vector<8x8x1024xi32>
    %slice3A_322 = vector.extract_strided_slice %select_n3A_320 {offsets = [0, 8, 0], sizes = [8, 8, 1024], strides = [1, 1, 1]} : vector<8x16x1024xi32> to vector<8x8x1024xi32>
    %min3A_323 = arith.minsi %slice3A_321, %slice3A_322 : vector<8x8x1024xi32>
    %slice3A_324 = vector.extract_strided_slice %min3A_323 {offsets = [0, 0, 0], sizes = [8, 4, 1024], strides = [1, 1, 1]} : vector<8x8x1024xi32> to vector<8x4x1024xi32>
    %slice3A_325 = vector.extract_strided_slice %min3A_323 {offsets = [0, 4, 0], sizes = [8, 4, 1024], strides = [1, 1, 1]} : vector<8x8x1024xi32> to vector<8x4x1024xi32>
    %min3A_326 = arith.minsi %slice3A_324, %slice3A_325 : vector<8x4x1024xi32>
    %slice3A_327 = vector.extract_strided_slice %min3A_326 {offsets = [0, 0, 0], sizes = [8, 2, 1024], strides = [1, 1, 1]} : vector<8x4x1024xi32> to vector<8x2x1024xi32>
    %slice3A_328 = vector.extract_strided_slice %min3A_326 {offsets = [0, 2, 0], sizes = [8, 2, 1024], strides = [1, 1, 1]} : vector<8x4x1024xi32> to vector<8x2x1024xi32>
    %min3A_329 = arith.minsi %slice3A_327, %slice3A_328 : vector<8x2x1024xi32>
    %slice3A_330 = vector.extract_strided_slice %min3A_329 {offsets = [0, 0, 0], sizes = [8, 1, 1024], strides = [1, 1, 1]} : vector<8x2x1024xi32> to vector<8x1x1024xi32>
    %slice3A_331 = vector.extract_strided_slice %min3A_329 {offsets = [0, 1, 0], sizes = [8, 1, 1024], strides = [1, 1, 1]} : vector<8x2x1024xi32> to vector<8x1x1024xi32>
    %min3A_332 = arith.minsi %slice3A_330, %slice3A_331 : vector<8x1x1024xi32>
    %eq3A_333 = vector.broadcast %min3A_332 : vector<8x1x1024xi32> to vector<8x16x1024xi32>
    %eq3A_334 = arith.cmpi eq, %iota3A_315, %eq3A_333 : vector<8x16x1024xi32>
    %convert_element_type3A_335 = arith.extui %eq3A_334 : vector<8x16x1024xi1> to vector<8x16x1024xi32>
    %convert_element_type3A_336 = arith.sitofp %convert_element_type3A_335 : vector<8x16x1024xi32> to vector<8x16x1024xf32>
    %reshape3A_337 = vector.shape_cast %convert_element_type3A_336 : vector<8x16x1024xf32> to vector<128x1024xf32>
    %dot_general3A_338 = arith.constant dense<0.000000e+00> : vector<64x1024xf32>
    %dot_general3A_339 = tpu.matmul %get3A_95, %reshape3A_337, %dot_general3A_338 {dimension_numbers = #tpu.dot_dimension_numbers<[1], [0], [0], [1], [0, 0, 1, 1], [], []>, transpose_lhs_hint = false} : vector<64x128xf32>, vector<128x1024xf32>, vector<64x1024xf32> -> vector<64x1024xf32>
    %add3A_340 = arith.addf %get3A_284, %dot_general3A_339 : vector<64x1024xf32>
    %swap3A_341 = arith.constant 0 : index
    %swap3A_342 = arith.constant 0 : index
    %swap3A_343 = vector.load %arg19[%swap3A_341, %swap3A_342] : memref<64x1024xf32, #tpu.memory_space<vmem>>, vector<64x1024xf32>
    tpu.vector_store %arg19[%swap3A_341, %swap3A_342], %add3A_340 {strides = array<i32>} : memref<64x1024xf32, #tpu.memory_space<vmem>>, vector<64x1024xf32>,
    %get3A_344 = arith.constant 0 : index
    %get3A_345 = arith.constant 4096 : index
    %get3A_346 = vector.load %arg20[%get3A_344, %get3A_345] : memref<64x5120xf32, #tpu.memory_space<vmem>>, vector<64x1024xf32>
    %get3A_347 = arith.constant 0 : index
    %get3A_348 = arith.constant 0 : index
    %get3A_349 = vector.load %arg19[%get3A_347, %get3A_348] : memref<64x1024xf32, #tpu.memory_space<vmem>>, vector<64x1024xf32>
    %dot_general3A_350 = arith.constant dense<0.000000e+00> : vector<128x1024xf32>
    %dot_general3A_351 = tpu.matmul %get3A_86, %get3A_349, %dot_general3A_350 {dimension_numbers = #tpu.dot_dimension_numbers<[1], [0], [0], [1], [0, 0, 1, 1], [], []>, transpose_lhs_hint = false} : vector<128x64xf32>, vector<64x1024xf32>, vector<128x1024xf32> -> vector<128x1024xf32>
    %sub3A_352 = vector.broadcast %get3A_89 : vector<128x1xf32> to vector<128x1024xf32>
    %sub3A_353 = arith.subf %dot_general3A_351, %sub3A_352 : vector<128x1024xf32>
    %gt3A_354 = arith.constant 0.000000e+00 : f32
    %gt3A_355 = vector.broadcast %gt3A_354 : f32 to vector<128x1024xf32>
    %gt3A_356 = arith.cmpf ogt, %sub3A_353, %gt3A_355 : vector<128x1024xf32>
    %jit3A_357 = arith.constant 1.000000e+00 : f32
    %jit3A_358 = arith.constant -1.000000e+00 : f32
    %broadcast_in_dim3A_359 = vector.broadcast %jit3A_357 : f32 to vector<128x1024xf32>
    %broadcast_in_dim3A_360 = vector.broadcast %jit3A_358 : f32 to vector<128x1024xf32>
    %select_n3A_361 = arith.select %gt3A_356, %broadcast_in_dim3A_359, %broadcast_in_dim3A_360 : vector<128x1024xi1>, vector<128x1024xf32>
    %dot_general3A_362 = arith.constant dense<0.000000e+00> : vector<128x1024xf32>
    %dot_general3A_363 = tpu.matmul %get3A_92, %select_n3A_361, %dot_general3A_362 {dimension_numbers = #tpu.dot_dimension_numbers<[1], [0], [0], [1], [0, 0, 1, 1], [], []>, transpose_lhs_hint = false} : vector<128x128xf32>, vector<128x1024xf32>, vector<128x1024xf32> -> vector<128x1024xf32>
    %reshape3A_364 = vector.shape_cast %dot_general3A_363 : vector<128x1024xf32> to vector<8x16x1024xf32>
    %slice3A_365 = vector.extract_strided_slice %reshape3A_364 {offsets = [0, 0, 0], sizes = [8, 8, 1024], strides = [1, 1, 1]} : vector<8x16x1024xf32> to vector<8x8x1024xf32>
    %slice3A_366 = vector.extract_strided_slice %reshape3A_364 {offsets = [0, 8, 0], sizes = [8, 8, 1024], strides = [1, 1, 1]} : vector<8x16x1024xf32> to vector<8x8x1024xf32>
    %max3A_367 = arith.maximumf %slice3A_365, %slice3A_366 : vector<8x8x1024xf32>
    %slice3A_368 = vector.extract_strided_slice %max3A_367 {offsets = [0, 0, 0], sizes = [8, 4, 1024], strides = [1, 1, 1]} : vector<8x8x1024xf32> to vector<8x4x1024xf32>
    %slice3A_369 = vector.extract_strided_slice %max3A_367 {offsets = [0, 4, 0], sizes = [8, 4, 1024], strides = [1, 1, 1]} : vector<8x8x1024xf32> to vector<8x4x1024xf32>
    %max3A_370 = arith.maximumf %slice3A_368, %slice3A_369 : vector<8x4x1024xf32>
    %slice3A_371 = vector.extract_strided_slice %max3A_370 {offsets = [0, 0, 0], sizes = [8, 2, 1024], strides = [1, 1, 1]} : vector<8x4x1024xf32> to vector<8x2x1024xf32>
    %slice3A_372 = vector.extract_strided_slice %max3A_370 {offsets = [0, 2, 0], sizes = [8, 2, 1024], strides = [1, 1, 1]} : vector<8x4x1024xf32> to vector<8x2x1024xf32>
    %max3A_373 = arith.maximumf %slice3A_371, %slice3A_372 : vector<8x2x1024xf32>
    %slice3A_374 = vector.extract_strided_slice %max3A_373 {offsets = [0, 0, 0], sizes = [8, 1, 1024], strides = [1, 1, 1]} : vector<8x2x1024xf32> to vector<8x1x1024xf32>
    %slice3A_375 = vector.extract_strided_slice %max3A_373 {offsets = [0, 1, 0], sizes = [8, 1, 1024], strides = [1, 1, 1]} : vector<8x2x1024xf32> to vector<8x1x1024xf32>
    %max3A_376 = arith.maximumf %slice3A_374, %slice3A_375 : vector<8x1x1024xf32>
    %iota3A_377 = tpu.iota {dimensions = array<i32: 1>} : vector<8x16x1024xi32>
    %eq3A_378 = vector.broadcast %max3A_376 : vector<8x1x1024xf32> to vector<8x16x1024xf32>
    %eq3A_379 = arith.cmpf oeq, %reshape3A_364, %eq3A_378 : vector<8x16x1024xf32>
    %jit3A_380 = arith.constant 16 : i32
    %broadcast_in_dim3A_381 = vector.broadcast %jit3A_380 : i32 to vector<8x16x1024xi32>
    %select_n3A_382 = arith.select %eq3A_379, %iota3A_377, %broadcast_in_dim3A_381 : vector<8x16x1024xi1>, vector<8x16x1024xi32>
    %slice3A_383 = vector.extract_strided_slice %select_n3A_382 {offsets = [0, 0, 0], sizes = [8, 8, 1024], strides = [1, 1, 1]} : vector<8x16x1024xi32> to vector<8x8x1024xi32>
    %slice3A_384 = vector.extract_strided_slice %select_n3A_382 {offsets = [0, 8, 0], sizes = [8, 8, 1024], strides = [1, 1, 1]} : vector<8x16x1024xi32> to vector<8x8x1024xi32>
    %min3A_385 = arith.minsi %slice3A_383, %slice3A_384 : vector<8x8x1024xi32>
    %slice3A_386 = vector.extract_strided_slice %min3A_385 {offsets = [0, 0, 0], sizes = [8, 4, 1024], strides = [1, 1, 1]} : vector<8x8x1024xi32> to vector<8x4x1024xi32>
    %slice3A_387 = vector.extract_strided_slice %min3A_385 {offsets = [0, 4, 0], sizes = [8, 4, 1024], strides = [1, 1, 1]} : vector<8x8x1024xi32> to vector<8x4x1024xi32>
    %min3A_388 = arith.minsi %slice3A_386, %slice3A_387 : vector<8x4x1024xi32>
    %slice3A_389 = vector.extract_strided_slice %min3A_388 {offsets = [0, 0, 0], sizes = [8, 2, 1024], strides = [1, 1, 1]} : vector<8x4x1024xi32> to vector<8x2x1024xi32>
    %slice3A_390 = vector.extract_strided_slice %min3A_388 {offsets = [0, 2, 0], sizes = [8, 2, 1024], strides = [1, 1, 1]} : vector<8x4x1024xi32> to vector<8x2x1024xi32>
    %min3A_391 = arith.minsi %slice3A_389, %slice3A_390 : vector<8x2x1024xi32>
    %slice3A_392 = vector.extract_strided_slice %min3A_391 {offsets = [0, 0, 0], sizes = [8, 1, 1024], strides = [1, 1, 1]} : vector<8x2x1024xi32> to vector<8x1x1024xi32>
    %slice3A_393 = vector.extract_strided_slice %min3A_391 {offsets = [0, 1, 0], sizes = [8, 1, 1024], strides = [1, 1, 1]} : vector<8x2x1024xi32> to vector<8x1x1024xi32>
    %min3A_394 = arith.minsi %slice3A_392, %slice3A_393 : vector<8x1x1024xi32>
    %eq3A_395 = vector.broadcast %min3A_394 : vector<8x1x1024xi32> to vector<8x16x1024xi32>
    %eq3A_396 = arith.cmpi eq, %iota3A_377, %eq3A_395 : vector<8x16x1024xi32>
    %convert_element_type3A_397 = arith.extui %eq3A_396 : vector<8x16x1024xi1> to vector<8x16x1024xi32>
    %convert_element_type3A_398 = arith.sitofp %convert_element_type3A_397 : vector<8x16x1024xi32> to vector<8x16x1024xf32>
    %reshape3A_399 = vector.shape_cast %convert_element_type3A_398 : vector<8x16x1024xf32> to vector<128x1024xf32>
    %dot_general3A_400 = arith.constant dense<0.000000e+00> : vector<64x1024xf32>
    %dot_general3A_401 = tpu.matmul %get3A_95, %reshape3A_399, %dot_general3A_400 {dimension_numbers = #tpu.dot_dimension_numbers<[1], [0], [0], [1], [0, 0, 1, 1], [], []>, transpose_lhs_hint = false} : vector<64x128xf32>, vector<128x1024xf32>, vector<64x1024xf32> -> vector<64x1024xf32>
    %add3A_402 = arith.addf %get3A_346, %dot_general3A_401 : vector<64x1024xf32>
    %swap3A_403 = arith.constant 0 : index
    %swap3A_404 = arith.constant 0 : index
    %swap3A_405 = vector.load %arg19[%swap3A_403, %swap3A_404] : memref<64x1024xf32, #tpu.memory_space<vmem>>, vector<64x1024xf32>
    tpu.vector_store %arg19[%swap3A_403, %swap3A_404], %add3A_402 {strides = array<i32>} : memref<64x1024xf32, #tpu.memory_space<vmem>>, vector<64x1024xf32>,
    %eq3A_406 = arith.constant 4 : i32
    %eq3A_407 = arith.cmpi eq, %arg0, %eq3A_406 : i32
    %convert_element_type3A_408 = arith.extui %eq3A_407 : i1 to i32
    %cond3A_409 = arith.constant 0 : i32
    %cond3A_410 = arith.cmpi ne, %convert_element_type3A_408, %cond3A_409 : i32
    scf.if %cond3A_410 {
      %get3A_411 = arith.constant 0 : index
      %get3A_412 = arith.constant 0 : index
      %get3A_413 = vector.load %arg19[%get3A_411, %get3A_412] : memref<64x1024xf32, #tpu.memory_space<vmem>>, vector<64x1024xf32>
      %swap3A_414 = arith.constant 0 : index
      %swap3A_415 = arith.constant 0 : index
      %swap3A_416 = vector.load %arg18[%swap3A_414, %swap3A_415] : memref<64x1024xf32, #tpu.memory_space<vmem>>, vector<64x1024xf32>
      tpu.vector_store %arg18[%swap3A_414, %swap3A_415], %get3A_413 {strides = array<i32>} : memref<64x1024xf32, #tpu.memory_space<vmem>>, vector<64x1024xf32>,
    } else {
    }
    return
  }
  func.func @transform_0(%arg0: i32) -> (i32, i32) {
    %c0_i32 = arith.constant 0 : i32
    %c0_i32_0 = arith.constant 0 : i32
    return %arg0, %c0_i32 : i32, i32
  }
  func.func @transform_1(%arg0: i32) -> (i32, i32) {
    %c0_i32 = arith.constant 0 : i32
    %c0_i32_0 = arith.constant 0 : i32
    return %arg0, %c0_i32 : i32, i32
  }
  func.func @transform_2(%arg0: i32) -> (i32, i32) {
    %c0_i32 = arith.constant 0 : i32
    %c0_i32_0 = arith.constant 0 : i32
    return %arg0, %c0_i32 : i32, i32
  }
  func.func @transform_3(%arg0: i32) -> (i32, i32) {
    %c0_i32 = arith.constant 0 : i32
    %c0_i32_0 = arith.constant 0 : i32
    return %arg0, %c0_i32 : i32, i32
  }
  func.func @transform_4(%arg0: i32) -> (i32, i32) {
    %c0_i32 = arith.constant 0 : i32
    %c0_i32_0 = arith.constant 0 : i32
    %c0_i32_1 = arith.constant 0 : i32
    return %c0_i32, %c0_i32_0 : i32, i32
  }
  func.func @transform_5(%arg0: i32) -> (i32, i32) {
    %c0_i32 = arith.constant 0 : i32
    %c0_i32_0 = arith.constant 0 : i32
    %c0_i32_1 = arith.constant 0 : i32
    return %c0_i32, %c0_i32_0 : i32, i32
  }
  func.func @transform_6(%arg0: i32) -> (i32, i32) {
    %c0_i32 = arith.constant 0 : i32
    %c0_i32_0 = arith.constant 0 : i32
    %c0_i32_1 = arith.constant 0 : i32
    return %c0_i32, %c0_i32_0 : i32, i32
  }
  func.func @transform_7(%arg0: i32) -> (i32, i32) {
    %c0_i32 = arith.constant 0 : i32
    %c0_i32_0 = arith.constant 0 : i32
    %c0_i32_1 = arith.constant 0 : i32
    return %c0_i32, %c0_i32_0 : i32, i32
  }
  func.func @transform_8(%arg0: i32) -> (i32, i32) {
    %c0_i32 = arith.constant 0 : i32
    %c0_i32_0 = arith.constant 0 : i32
    %c0_i32_1 = arith.constant 0 : i32
    return %c0_i32, %c0_i32_0 : i32, i32
  }
  func.func @transform_9(%arg0: i32) -> (i32, i32) {
    %c0_i32 = arith.constant 0 : i32
    %c0_i32_0 = arith.constant 0 : i32
    %c0_i32_1 = arith.constant 0 : i32
    return %c0_i32, %c0_i32_0 : i32, i32
  }
  func.func @transform_10(%arg0: i32) -> (i32, i32) {
    %c0_i32 = arith.constant 0 : i32
    %c0_i32_0 = arith.constant 0 : i32
    %c0_i32_1 = arith.constant 0 : i32
    return %c0_i32, %c0_i32_0 : i32, i32
  }
  func.func @transform_11(%arg0: i32) -> (i32, i32) {
    %c0_i32 = arith.constant 0 : i32
    %c0_i32_0 = arith.constant 0 : i32
    %c0_i32_1 = arith.constant 0 : i32
    return %c0_i32, %c0_i32_0 : i32, i32
  }
  func.func @transform_12(%arg0: i32) -> (i32, i32) {
    %c0_i32 = arith.constant 0 : i32
    %c0_i32_0 = arith.constant 0 : i32
    %c0_i32_1 = arith.constant 0 : i32
    return %c0_i32, %c0_i32_0 : i32, i32
  }
  func.func @transform_13(%arg0: i32) -> (i32, i32) {
    %c0_i32 = arith.constant 0 : i32
    %c0_i32_0 = arith.constant 0 : i32
    %c0_i32_1 = arith.constant 0 : i32
    return %c0_i32, %c0_i32_0 : i32, i32
  }
  func.func @transform_14(%arg0: i32) -> (i32, i32) {
    %c0_i32 = arith.constant 0 : i32
    %c0_i32_0 = arith.constant 0 : i32
    %c0_i32_1 = arith.constant 0 : i32
    return %c0_i32, %c0_i32_0 : i32, i32
  }
  func.func @transform_15(%arg0: i32) -> (i32, i32) {
    %c0_i32 = arith.constant 0 : i32
    %c0_i32_0 = arith.constant 0 : i32
    %c0_i32_1 = arith.constant 0 : i32
    return %c0_i32, %c0_i32_0 : i32, i32
  }
  func.func @transform_16(%arg0: i32) -> (i32, i32) {
    %c0_i32 = arith.constant 0 : i32
    %c0_i32_0 = arith.constant 0 : i32
    %c0_i32_1 = arith.constant 0 : i32
    return %c0_i32, %c0_i32_0 : i32, i32
  }
  func.func @transform_17(%arg0: i32) -> (i32, i32) {
    %c0_i32 = arith.constant 0 : i32
    %c0_i32_0 = arith.constant 0 : i32
    %c0_i32_1 = arith.constant 0 : i32
    return %c0_i32, %c0_i32_0 : i32, i32
  }
}

module attributes {stable_mosaic.version = 14 : i64} {
  func.func @body(%arg0: i32, %arg1: memref<5120x128xf32, #tpu.memory_space<vmem>>, %arg2: memref<5120x128xf32, #tpu.memory_space<vmem>>, %arg3: memref<5120x1xi32, #tpu.memory_space<vmem>>, %arg4: memref<5120x1xi32, #tpu.memory_space<vmem>>, %arg5: memref<128x64xf32, #tpu.memory_space<vmem>>, %arg6: memref<128x1xf32, #tpu.memory_space<vmem>>, %arg7: memref<128x128xf32, #tpu.memory_space<vmem>>, %arg8: memref<64x128xf32, #tpu.memory_space<vmem>>, %arg9: memref<128x64xf32, #tpu.memory_space<vmem>>, %arg10: memref<128x1xf32, #tpu.memory_space<vmem>>, %arg11: memref<128x128xf32, #tpu.memory_space<vmem>>, %arg12: memref<64x128xf32, #tpu.memory_space<vmem>>, %arg13: memref<128x64xf32, #tpu.memory_space<vmem>>, %arg14: memref<128x1xf32, #tpu.memory_space<vmem>>, %arg15: memref<128x128xf32, #tpu.memory_space<vmem>>, %arg16: memref<100x128xf32, #tpu.memory_space<vmem>>, %arg17: memref<64x1024xf32, #tpu.memory_space<vmem>>, %arg18: memref<1024x100xf32, #tpu.memory_space<vmem>>, %arg19: memref<64x1024xf32, #tpu.memory_space<vmem>>, %arg20: memref<64x5120xf32, #tpu.memory_space<vmem>>) attributes {dimension_semantics = [#tpu.dimension_semantics<arbitrary>], iteration_bounds = array<i64: 5>, scalar_prefetch = 0 : i64, scratch_operands = 2 : i64, tpu.core_type = #tpu.core_type<tc>, window_params = [{transform_indices = @transform_0, window_bounds = array<i64: 5120, 128>}, {transform_indices = @transform_1, window_bounds = array<i64: 5120, 128>}, {transform_indices = @transform_2, window_bounds = array<i64: 5120, 1>}, {transform_indices = @transform_3, window_bounds = array<i64: 5120, 1>}, {pipeline_mode = #tpu.pipeline_mode<synchronous>, transform_indices = @transform_4, window_bounds = array<i64: 128, 64>}, {pipeline_mode = #tpu.pipeline_mode<synchronous>, transform_indices = @transform_5, window_bounds = array<i64: 128, 1>}, {pipeline_mode = #tpu.pipeline_mode<synchronous>, transform_indices = @transform_6, window_bounds = array<i64: 128, 128>}, {pipeline_mode = #tpu.pipeline_mode<synchronous>, transform_indices = @transform_7, window_bounds = array<i64: 64, 128>}, {pipeline_mode = #tpu.pipeline_mode<synchronous>, transform_indices = @transform_8, window_bounds = array<i64: 128, 64>}, {pipeline_mode = #tpu.pipeline_mode<synchronous>, transform_indices = @transform_9, window_bounds = array<i64: 128, 1>}, {pipeline_mode = #tpu.pipeline_mode<synchronous>, transform_indices = @transform_10, window_bounds = array<i64: 128, 128>}, {pipeline_mode = #tpu.pipeline_mode<synchronous>, transform_indices = @transform_11, window_bounds = array<i64: 64, 128>}, {pipeline_mode = #tpu.pipeline_mode<synchronous>, transform_indices = @transform_12, window_bounds = array<i64: 128, 64>}, {pipeline_mode = #tpu.pipeline_mode<synchronous>, transform_indices = @transform_13, window_bounds = array<i64: 128, 1>}, {pipeline_mode = #tpu.pipeline_mode<synchronous>, transform_indices = @transform_14, window_bounds = array<i64: 128, 128>}, {pipeline_mode = #tpu.pipeline_mode<synchronous>, transform_indices = @transform_15, window_bounds = array<i64: 100, 128>}, {pipeline_mode = #tpu.pipeline_mode<synchronous>, transform_indices = @transform_16, window_bounds = array<i64: 64, 1024>}, {pipeline_mode = #tpu.pipeline_mode<synchronous>, transform_indices = @transform_17, window_bounds = array<i64: 1024, 100>}]} {
    %eq3A = arith.constant 0 : i32
    %eq3A_0 = arith.cmpi eq, %arg0, %eq3A : i32
    %convert_element_type3A = arith.extui %eq3A_0 : i1 to i32
    %cond3A = arith.constant 0 : i32
    %cond3A_1 = arith.cmpi ne, %convert_element_type3A, %cond3A : i32
    scf.if %cond3A_1 {
      %get3A_411 = arith.constant 0 : index
      %get3A_412 = arith.constant 0 : index
      %get3A_413 = vector.load %arg17[%get3A_411, %get3A_412] : memref<64x1024xf32, #tpu.memory_space<vmem>>, vector<64x1024xf32>
      %swap3A_414 = arith.constant 0 : index
      %swap3A_415 = arith.constant 0 : index
      %swap3A_416 = vector.load %arg19[%swap3A_414, %swap3A_415] : memref<64x1024xf32, #tpu.memory_space<vmem>>, vector<64x1024xf32>
      tpu.vector_store %arg19[%swap3A_414, %swap3A_415], %get3A_413 {strides = array<i32>} : memref<64x1024xf32, #tpu.memory_space<vmem>>, vector<64x1024xf32>,
    } else {
    }
    %get3A = arith.constant 0 : index
    %get3A_2 = arith.constant 0 : index
    %get3A_3 = vector.load %arg1[%get3A, %get3A_2] : memref<5120x128xf32, #tpu.memory_space<vmem>>, vector<5120x128xf32>
    %get3A_4 = arith.constant 0 : index
    %get3A_5 = arith.constant 0 : index
    %get3A_6 = vector.load %arg2[%get3A_4, %get3A_5] : memref<5120x128xf32, #tpu.memory_space<vmem>>, vector<5120x128xf32>
    %get3A_7 = arith.constant 0 : index
    %get3A_8 = arith.constant 0 : index
    %get3A_9 = vector.load %arg3[%get3A_7, %get3A_8] : memref<5120x1xi32, #tpu.memory_space<vmem>>, vector<5120x1xi32>
    %eq3A_10 = arith.constant 1 : i32
    %eq3A_11 = vector.broadcast %eq3A_10 : i32 to vector<5120x1xi32>
    %eq3A_12 = arith.cmpi eq, %get3A_9, %eq3A_11 : vector<5120x1xi32>
    %slice3A = vector.extract_strided_slice %get3A_3 {offsets = [0, 64], sizes = [5120, 64], strides = [1, 1]} : vector<5120x128xf32> to vector<5120x64xf32>
    %slice3A_13 = vector.extract_strided_slice %get3A_3 {offsets = [0, 0], sizes = [5120, 64], strides = [1, 1]} : vector<5120x128xf32> to vector<5120x64xf32>
    %broadcast_in_dim3A = vector.shape_cast %eq3A_12 : vector<5120x1xi1> to vector<5120x1xi1>
    %broadcast_in_dim3A_14 = vector.broadcast %broadcast_in_dim3A : vector<5120x1xi1> to vector<5120x64xi1>
    %select_n3A = arith.select %broadcast_in_dim3A_14, %slice3A, %slice3A_13 : vector<5120x64xi1>, vector<5120x64xf32>
    %get3A_15 = arith.constant 0 : index
    %get3A_16 = arith.constant 0 : index
    %get3A_17 = vector.load %arg4[%get3A_15, %get3A_16] : memref<5120x1xi32, #tpu.memory_space<vmem>>, vector<5120x1xi32>
    %eq3A_18 = arith.constant 1 : i32
    %eq3A_19 = vector.broadcast %eq3A_18 : i32 to vector<5120x1xi32>
    %eq3A_20 = arith.cmpi eq, %get3A_17, %eq3A_19 : vector<5120x1xi32>
    %slice3A_21 = vector.extract_strided_slice %get3A_6 {offsets = [0, 64], sizes = [5120, 64], strides = [1, 1]} : vector<5120x128xf32> to vector<5120x64xf32>
    %slice3A_22 = vector.extract_strided_slice %get3A_6 {offsets = [0, 0], sizes = [5120, 64], strides = [1, 1]} : vector<5120x128xf32> to vector<5120x64xf32>
    %broadcast_in_dim3A_23 = vector.shape_cast %eq3A_20 : vector<5120x1xi1> to vector<5120x1xi1>
    %broadcast_in_dim3A_24 = vector.broadcast %broadcast_in_dim3A_23 : vector<5120x1xi1> to vector<5120x64xi1>
    %select_n3A_25 = arith.select %broadcast_in_dim3A_24, %slice3A_21, %slice3A_22 : vector<5120x64xi1>, vector<5120x64xf32>
    %add3A = arith.addf %select_n3A_25, %select_n3A : vector<5120x64xf32>
    %get3A_26 = arith.constant 0 : index
    %get3A_27 = arith.constant 0 : index
    %get3A_28 = vector.load %arg5[%get3A_26, %get3A_27] : memref<128x64xf32, #tpu.memory_space<vmem>>, vector<128x64xf32>
    %get3A_29 = arith.constant 0 : index
    %get3A_30 = arith.constant 0 : index
    %get3A_31 = vector.load %arg6[%get3A_29, %get3A_30] : memref<128x1xf32, #tpu.memory_space<vmem>>, vector<128x1xf32>
    %get3A_32 = arith.constant 0 : index
    %get3A_33 = arith.constant 0 : index
    %get3A_34 = vector.load %arg7[%get3A_32, %get3A_33] : memref<128x128xf32, #tpu.memory_space<vmem>>, vector<128x128xf32>
    %dot_general3A = arith.constant dense<0.000000e+00> : vector<128x5120xf32>
    %dot_general3A_35 = tpu.matmul %get3A_28, %add3A, %dot_general3A {dimension_numbers = #tpu.dot_dimension_numbers<[1], [1], [0], [0], [0, 0, 1, 0], [], []>, transpose_lhs_hint = false} : vector<128x64xf32>, vector<5120x64xf32>, vector<128x5120xf32> -> vector<128x5120xf32>
    %sub3A = vector.broadcast %get3A_31 : vector<128x1xf32> to vector<128x5120xf32>
    %sub3A_36 = arith.subf %dot_general3A_35, %sub3A : vector<128x5120xf32>
    %gt3A = arith.constant 0.000000e+00 : f32
    %gt3A_37 = vector.broadcast %gt3A : f32 to vector<128x5120xf32>
    %gt3A_38 = arith.cmpf ogt, %sub3A_36, %gt3A_37 : vector<128x5120xf32>
    %jit3A = arith.constant 1.000000e+00 : f32
    %jit3A_39 = arith.constant -1.000000e+00 : f32
    %broadcast_in_dim3A_40 = vector.broadcast %jit3A : f32 to vector<128x5120xf32>
    %broadcast_in_dim3A_41 = vector.broadcast %jit3A_39 : f32 to vector<128x5120xf32>
    %select_n3A_42 = arith.select %gt3A_38, %broadcast_in_dim3A_40, %broadcast_in_dim3A_41 : vector<128x5120xi1>, vector<128x5120xf32>
    %dot_general3A_43 = arith.constant dense<0.000000e+00> : vector<128x5120xf32>
    %dot_general3A_44 = tpu.matmul %get3A_34, %select_n3A_42, %dot_general3A_43 {dimension_numbers = #tpu.dot_dimension_numbers<[1], [0], [0], [1], [0, 0, 1, 1], [], []>, transpose_lhs_hint = false} : vector<128x128xf32>, vector<128x5120xf32>, vector<128x5120xf32> -> vector<128x5120xf32>
    %reshape3A = vector.shape_cast %dot_general3A_44 : vector<128x5120xf32> to vector<8x16x5120xf32>
    %slice3A_45 = vector.extract_strided_slice %reshape3A {offsets = [0, 0, 0], sizes = [8, 8, 5120], strides = [1, 1, 1]} : vector<8x16x5120xf32> to vector<8x8x5120xf32>
    %slice3A_46 = vector.extract_strided_slice %reshape3A {offsets = [0, 8, 0], sizes = [8, 8, 5120], strides = [1, 1, 1]} : vector<8x16x5120xf32> to vector<8x8x5120xf32>
    %max3A = arith.maximumf %slice3A_45, %slice3A_46 : vector<8x8x5120xf32>
    %slice3A_47 = vector.extract_strided_slice %max3A {offsets = [0, 0, 0], sizes = [8, 4, 5120], strides = [1, 1, 1]} : vector<8x8x5120xf32> to vector<8x4x5120xf32>
    %slice3A_48 = vector.extract_strided_slice %max3A {offsets = [0, 4, 0], sizes = [8, 4, 5120], strides = [1, 1, 1]} : vector<8x8x5120xf32> to vector<8x4x5120xf32>
    %max3A_49 = arith.maximumf %slice3A_47, %slice3A_48 : vector<8x4x5120xf32>
    %slice3A_50 = vector.extract_strided_slice %max3A_49 {offsets = [0, 0, 0], sizes = [8, 2, 5120], strides = [1, 1, 1]} : vector<8x4x5120xf32> to vector<8x2x5120xf32>
    %slice3A_51 = vector.extract_strided_slice %max3A_49 {offsets = [0, 2, 0], sizes = [8, 2, 5120], strides = [1, 1, 1]} : vector<8x4x5120xf32> to vector<8x2x5120xf32>
    %max3A_52 = arith.maximumf %slice3A_50, %slice3A_51 : vector<8x2x5120xf32>
    %slice3A_53 = vector.extract_strided_slice %max3A_52 {offsets = [0, 0, 0], sizes = [8, 1, 5120], strides = [1, 1, 1]} : vector<8x2x5120xf32> to vector<8x1x5120xf32>
    %slice3A_54 = vector.extract_strided_slice %max3A_52 {offsets = [0, 1, 0], sizes = [8, 1, 5120], strides = [1, 1, 1]} : vector<8x2x5120xf32> to vector<8x1x5120xf32>
    %max3A_55 = arith.maximumf %slice3A_53, %slice3A_54 : vector<8x1x5120xf32>
    %iota3A = tpu.iota {dimensions = array<i32: 1>} : vector<8x16x5120xi32>
    %eq3A_56 = vector.broadcast %max3A_55 : vector<8x1x5120xf32> to vector<8x16x5120xf32>
    %eq3A_57 = arith.cmpf oeq, %reshape3A, %eq3A_56 : vector<8x16x5120xf32>
    %jit3A_58 = arith.constant 16 : i32
    %broadcast_in_dim3A_59 = vector.broadcast %jit3A_58 : i32 to vector<8x16x5120xi32>
    %select_n3A_60 = arith.select %eq3A_57, %iota3A, %broadcast_in_dim3A_59 : vector<8x16x5120xi1>, vector<8x16x5120xi32>
    %slice3A_61 = vector.extract_strided_slice %select_n3A_60 {offsets = [0, 0, 0], sizes = [8, 8, 5120], strides = [1, 1, 1]} : vector<8x16x5120xi32> to vector<8x8x5120xi32>
    %slice3A_62 = vector.extract_strided_slice %select_n3A_60 {offsets = [0, 8, 0], sizes = [8, 8, 5120], strides = [1, 1, 1]} : vector<8x16x5120xi32> to vector<8x8x5120xi32>
    %min3A = arith.minsi %slice3A_61, %slice3A_62 : vector<8x8x5120xi32>
    %slice3A_63 = vector.extract_strided_slice %min3A {offsets = [0, 0, 0], sizes = [8, 4, 5120], strides = [1, 1, 1]} : vector<8x8x5120xi32> to vector<8x4x5120xi32>
    %slice3A_64 = vector.extract_strided_slice %min3A {offsets = [0, 4, 0], sizes = [8, 4, 5120], strides = [1, 1, 1]} : vector<8x8x5120xi32> to vector<8x4x5120xi32>
    %min3A_65 = arith.minsi %slice3A_63, %slice3A_64 : vector<8x4x5120xi32>
    %slice3A_66 = vector.extract_strided_slice %min3A_65 {offsets = [0, 0, 0], sizes = [8, 2, 5120], strides = [1, 1, 1]} : vector<8x4x5120xi32> to vector<8x2x5120xi32>
    %slice3A_67 = vector.extract_strided_slice %min3A_65 {offsets = [0, 2, 0], sizes = [8, 2, 5120], strides = [1, 1, 1]} : vector<8x4x5120xi32> to vector<8x2x5120xi32>
    %min3A_68 = arith.minsi %slice3A_66, %slice3A_67 : vector<8x2x5120xi32>
    %slice3A_69 = vector.extract_strided_slice %min3A_68 {offsets = [0, 0, 0], sizes = [8, 1, 5120], strides = [1, 1, 1]} : vector<8x2x5120xi32> to vector<8x1x5120xi32>
    %slice3A_70 = vector.extract_strided_slice %min3A_68 {offsets = [0, 1, 0], sizes = [8, 1, 5120], strides = [1, 1, 1]} : vector<8x2x5120xi32> to vector<8x1x5120xi32>
    %min3A_71 = arith.minsi %slice3A_69, %slice3A_70 : vector<8x1x5120xi32>
    %eq3A_72 = vector.broadcast %min3A_71 : vector<8x1x5120xi32> to vector<8x16x5120xi32>
    %eq3A_73 = arith.cmpi eq, %iota3A, %eq3A_72 : vector<8x16x5120xi32>
    %convert_element_type3A_74 = arith.extui %eq3A_73 : vector<8x16x5120xi1> to vector<8x16x5120xi32>
    %convert_element_type3A_75 = arith.sitofp %convert_element_type3A_74 : vector<8x16x5120xi32> to vector<8x16x5120xf32>
    %reshape3A_76 = vector.shape_cast %convert_element_type3A_75 : vector<8x16x5120xf32> to vector<128x5120xf32>
    %get3A_77 = arith.constant 0 : index
    %get3A_78 = arith.constant 0 : index
    %get3A_79 = vector.load %arg8[%get3A_77, %get3A_78] : memref<64x128xf32, #tpu.memory_space<vmem>>, vector<64x128xf32>
    %dot_general3A_80 = arith.constant dense<0.000000e+00> : vector<64x5120xf32>
    %dot_general3A_81 = tpu.matmul %get3A_79, %reshape3A_76, %dot_general3A_80 {dimension_numbers = #tpu.dot_dimension_numbers<[1], [0], [0], [1], [0, 0, 1, 1], [], []>, transpose_lhs_hint = false} : vector<64x128xf32>, vector<128x5120xf32>, vector<64x5120xf32> -> vector<64x5120xf32>
    %swap3A = arith.constant 0 : index
    %swap3A_82 = arith.constant 0 : index
    %swap3A_83 = vector.load %arg20[%swap3A, %swap3A_82] : memref<64x5120xf32, #tpu.memory_space<vmem>>, vector<64x5120xf32>
    tpu.vector_store %arg20[%swap3A, %swap3A_82], %dot_general3A_81 {strides = array<i32>} : memref<64x5120xf32, #tpu.memory_space<vmem>>, vector<64x5120xf32>,
    %get3A_84 = arith.constant 0 : index
    %get3A_85 = arith.constant 0 : index
    %get3A_86 = vector.load %arg9[%get3A_84, %get3A_85] : memref<128x64xf32, #tpu.memory_space<vmem>>, vector<128x64xf32>
    %get3A_87 = arith.constant 0 : index
    %get3A_88 = arith.constant 0 : index
    %get3A_89 = vector.load %arg10[%get3A_87, %get3A_88] : memref<128x1xf32, #tpu.memory_space<vmem>>, vector<128x1xf32>
    %get3A_90 = arith.constant 0 : index
    %get3A_91 = arith.constant 0 : index
    %get3A_92 = vector.load %arg11[%get3A_90, %get3A_91] : memref<128x128xf32, #tpu.memory_space<vmem>>, vector<128x128xf32>
    %get3A_93 = arith.constant 0 : index
    %get3A_94 = arith.constant 0 : index
    %get3A_95 = vector.load %arg12[%get3A_93, %get3A_94] : memref<64x128xf32, #tpu.memory_space<vmem>>, vector<64x128xf32>
    %get3A_96 = arith.constant 0 : index
    %get3A_97 = arith.constant 0 : index
    %get3A_98 = vector.load %arg20[%get3A_96, %get3A_97] : memref<64x5120xf32, #tpu.memory_space<vmem>>, vector<64x1024xf32>
    %get3A_99 = arith.constant 0 : index
    %get3A_100 = arith.constant 0 : index
    %get3A_101 = vector.load %arg19[%get3A_99, %get3A_100] : memref<64x1024xf32, #tpu.memory_space<vmem>>, vector<64x1024xf32>
    %dot_general3A_102 = arith.constant dense<0.000000e+00> : vector<128x1024xf32>
    %dot_general3A_103 = tpu.matmul %get3A_86, %get3A_101, %dot_general3A_102 {dimension_numbers = #tpu.dot_dimension_numbers<[1], [0], [0], [1], [0, 0, 1, 1], [], []>, transpose_lhs_hint = false} : vector<128x64xf32>, vector<64x1024xf32>, vector<128x1024xf32> -> vector<128x1024xf32>
    %sub3A_104 = vector.broadcast %get3A_89 : vector<128x1xf32> to vector<128x1024xf32>
    %sub3A_105 = arith.subf %dot_general3A_103, %sub3A_104 : vector<128x1024xf32>
    %gt3A_106 = arith.constant 0.000000e+00 : f32
    %gt3A_107 = vector.broadcast %gt3A_106 : f32 to vector<128x1024xf32>
    %gt3A_108 = arith.cmpf ogt, %sub3A_105, %gt3A_107 : vector<128x1024xf32>
    %jit3A_109 = arith.constant 1.000000e+00 : f32
    %jit3A_110 = arith.constant -1.000000e+00 : f32
    %broadcast_in_dim3A_111 = vector.broadcast %jit3A_109 : f32 to vector<128x1024xf32>
    %broadcast_in_dim3A_112 = vector.broadcast %jit3A_110 : f32 to vector<128x1024xf32>
    %select_n3A_113 = arith.select %gt3A_108, %broadcast_in_dim3A_111, %broadcast_in_dim3A_112 : vector<128x1024xi1>, vector<128x1024xf32>
    %dot_general3A_114 = arith.constant dense<0.000000e+00> : vector<128x1024xf32>
    %dot_general3A_115 = tpu.matmul %get3A_92, %select_n3A_113, %dot_general3A_114 {dimension_numbers = #tpu.dot_dimension_numbers<[1], [0], [0], [1], [0, 0, 1, 1], [], []>, transpose_lhs_hint = false} : vector<128x128xf32>, vector<128x1024xf32>, vector<128x1024xf32> -> vector<128x1024xf32>
    %reshape3A_116 = vector.shape_cast %dot_general3A_115 : vector<128x1024xf32> to vector<8x16x1024xf32>
    %slice3A_117 = vector.extract_strided_slice %reshape3A_116 {offsets = [0, 0, 0], sizes = [8, 8, 1024], strides = [1, 1, 1]} : vector<8x16x1024xf32> to vector<8x8x1024xf32>
    %slice3A_118 = vector.extract_strided_slice %reshape3A_116 {offsets = [0, 8, 0], sizes = [8, 8, 1024], strides = [1, 1, 1]} : vector<8x16x1024xf32> to vector<8x8x1024xf32>
    %max3A_119 = arith.maximumf %slice3A_117, %slice3A_118 : vector<8x8x1024xf32>
    %slice3A_120 = vector.extract_strided_slice %max3A_119 {offsets = [0, 0, 0], sizes = [8, 4, 1024], strides = [1, 1, 1]} : vector<8x8x1024xf32> to vector<8x4x1024xf32>
    %slice3A_121 = vector.extract_strided_slice %max3A_119 {offsets = [0, 4, 0], sizes = [8, 4, 1024], strides = [1, 1, 1]} : vector<8x8x1024xf32> to vector<8x4x1024xf32>
    %max3A_122 = arith.maximumf %slice3A_120, %slice3A_121 : vector<8x4x1024xf32>
    %slice3A_123 = vector.extract_strided_slice %max3A_122 {offsets = [0, 0, 0], sizes = [8, 2, 1024], strides = [1, 1, 1]} : vector<8x4x1024xf32> to vector<8x2x1024xf32>
    %slice3A_124 = vector.extract_strided_slice %max3A_122 {offsets = [0, 2, 0], sizes = [8, 2, 1024], strides = [1, 1, 1]} : vector<8x4x1024xf32> to vector<8x2x1024xf32>
    %max3A_125 = arith.maximumf %slice3A_123, %slice3A_124 : vector<8x2x1024xf32>
    %slice3A_126 = vector.extract_strided_slice %max3A_125 {offsets = [0, 0, 0], sizes = [8, 1, 1024], strides = [1, 1, 1]} : vector<8x2x1024xf32> to vector<8x1x1024xf32>
    %slice3A_127 = vector.extract_strided_slice %max3A_125 {offsets = [0, 1, 0], sizes = [8, 1, 1024], strides = [1, 1, 1]} : vector<8x2x1024xf32> to vector<8x1x1024xf32>
    %max3A_128 = arith.maximumf %slice3A_126, %slice3A_127 : vector<8x1x1024xf32>
    %iota3A_129 = tpu.iota {dimensions = array<i32: 1>} : vector<8x16x1024xi32>
    %eq3A_130 = vector.broadcast %max3A_128 : vector<8x1x1024xf32> to vector<8x16x1024xf32>
    %eq3A_131 = arith.cmpf oeq, %reshape3A_116, %eq3A_130 : vector<8x16x1024xf32>
    %jit3A_132 = arith.constant 16 : i32
    %broadcast_in_dim3A_133 = vector.broadcast %jit3A_132 : i32 to vector<8x16x1024xi32>
    %select_n3A_134 = arith.select %eq3A_131, %iota3A_129, %broadcast_in_dim3A_133 : vector<8x16x1024xi1>, vector<8x16x1024xi32>
    %slice3A_135 = vector.extract_strided_slice %select_n3A_134 {offsets = [0, 0, 0], sizes = [8, 8, 1024], strides = [1, 1, 1]} : vector<8x16x1024xi32> to vector<8x8x1024xi32>
    %slice3A_136 = vector.extract_strided_slice %select_n3A_134 {offsets = [0, 8, 0], sizes = [8, 8, 1024], strides = [1, 1, 1]} : vector<8x16x1024xi32> to vector<8x8x1024xi32>
    %min3A_137 = arith.minsi %slice3A_135, %slice3A_136 : vector<8x8x1024xi32>
    %slice3A_138 = vector.extract_strided_slice %min3A_137 {offsets = [0, 0, 0], sizes = [8, 4, 1024], strides = [1, 1, 1]} : vector<8x8x1024xi32> to vector<8x4x1024xi32>
    %slice3A_139 = vector.extract_strided_slice %min3A_137 {offsets = [0, 4, 0], sizes = [8, 4, 1024], strides = [1, 1, 1]} : vector<8x8x1024xi32> to vector<8x4x1024xi32>
    %min3A_140 = arith.minsi %slice3A_138, %slice3A_139 : vector<8x4x1024xi32>
    %slice3A_141 = vector.extract_strided_slice %min3A_140 {offsets = [0, 0, 0], sizes = [8, 2, 1024], strides = [1, 1, 1]} : vector<8x4x1024xi32> to vector<8x2x1024xi32>
    %slice3A_142 = vector.extract_strided_slice %min3A_140 {offsets = [0, 2, 0], sizes = [8, 2, 1024], strides = [1, 1, 1]} : vector<8x4x1024xi32> to vector<8x2x1024xi32>
    %min3A_143 = arith.minsi %slice3A_141, %slice3A_142 : vector<8x2x1024xi32>
    %slice3A_144 = vector.extract_strided_slice %min3A_143 {offsets = [0, 0, 0], sizes = [8, 1, 1024], strides = [1, 1, 1]} : vector<8x2x1024xi32> to vector<8x1x1024xi32>
    %slice3A_145 = vector.extract_strided_slice %min3A_143 {offsets = [0, 1, 0], sizes = [8, 1, 1024], strides = [1, 1, 1]} : vector<8x2x1024xi32> to vector<8x1x1024xi32>
    %min3A_146 = arith.minsi %slice3A_144, %slice3A_145 : vector<8x1x1024xi32>
    %eq3A_147 = vector.broadcast %min3A_146 : vector<8x1x1024xi32> to vector<8x16x1024xi32>
    %eq3A_148 = arith.cmpi eq, %iota3A_129, %eq3A_147 : vector<8x16x1024xi32>
    %convert_element_type3A_149 = arith.extui %eq3A_148 : vector<8x16x1024xi1> to vector<8x16x1024xi32>
    %convert_element_type3A_150 = arith.sitofp %convert_element_type3A_149 : vector<8x16x1024xi32> to vector<8x16x1024xf32>
    %reshape3A_151 = vector.shape_cast %convert_element_type3A_150 : vector<8x16x1024xf32> to vector<128x1024xf32>
    %dot_general3A_152 = arith.constant dense<0.000000e+00> : vector<64x1024xf32>
    %dot_general3A_153 = tpu.matmul %get3A_95, %reshape3A_151, %dot_general3A_152 {dimension_numbers = #tpu.dot_dimension_numbers<[1], [0], [0], [1], [0, 0, 1, 1], [], []>, transpose_lhs_hint = false} : vector<64x128xf32>, vector<128x1024xf32>, vector<64x1024xf32> -> vector<64x1024xf32>
    %add3A_154 = arith.addf %get3A_98, %dot_general3A_153 : vector<64x1024xf32>
    %swap3A_155 = arith.constant 0 : index
    %swap3A_156 = arith.constant 0 : index
    %swap3A_157 = vector.load %arg19[%swap3A_155, %swap3A_156] : memref<64x1024xf32, #tpu.memory_space<vmem>>, vector<64x1024xf32>
    tpu.vector_store %arg19[%swap3A_155, %swap3A_156], %add3A_154 {strides = array<i32>} : memref<64x1024xf32, #tpu.memory_space<vmem>>, vector<64x1024xf32>,
    %get3A_158 = arith.constant 0 : index
    %get3A_159 = arith.constant 1024 : index
    %get3A_160 = vector.load %arg20[%get3A_158, %get3A_159] : memref<64x5120xf32, #tpu.memory_space<vmem>>, vector<64x1024xf32>
    %get3A_161 = arith.constant 0 : index
    %get3A_162 = arith.constant 0 : index
    %get3A_163 = vector.load %arg19[%get3A_161, %get3A_162] : memref<64x1024xf32, #tpu.memory_space<vmem>>, vector<64x1024xf32>
    %dot_general3A_164 = arith.constant dense<0.000000e+00> : vector<128x1024xf32>
    %dot_general3A_165 = tpu.matmul %get3A_86, %get3A_163, %dot_general3A_164 {dimension_numbers = #tpu.dot_dimension_numbers<[1], [0], [0], [1], [0, 0, 1, 1], [], []>, transpose_lhs_hint = false} : vector<128x64xf32>, vector<64x1024xf32>, vector<128x1024xf32> -> vector<128x1024xf32>
    %sub3A_166 = vector.broadcast %get3A_89 : vector<128x1xf32> to vector<128x1024xf32>
    %sub3A_167 = arith.subf %dot_general3A_165, %sub3A_166 : vector<128x1024xf32>
    %gt3A_168 = arith.constant 0.000000e+00 : f32
    %gt3A_169 = vector.broadcast %gt3A_168 : f32 to vector<128x1024xf32>
    %gt3A_170 = arith.cmpf ogt, %sub3A_167, %gt3A_169 : vector<128x1024xf32>
    %jit3A_171 = arith.constant 1.000000e+00 : f32
    %jit3A_172 = arith.constant -1.000000e+00 : f32
    %broadcast_in_dim3A_173 = vector.broadcast %jit3A_171 : f32 to vector<128x1024xf32>
    %broadcast_in_dim3A_174 = vector.broadcast %jit3A_172 : f32 to vector<128x1024xf32>
    %select_n3A_175 = arith.select %gt3A_170, %broadcast_in_dim3A_173, %broadcast_in_dim3A_174 : vector<128x1024xi1>, vector<128x1024xf32>
    %dot_general3A_176 = arith.constant dense<0.000000e+00> : vector<128x1024xf32>
    %dot_general3A_177 = tpu.matmul %get3A_92, %select_n3A_175, %dot_general3A_176 {dimension_numbers = #tpu.dot_dimension_numbers<[1], [0], [0], [1], [0, 0, 1, 1], [], []>, transpose_lhs_hint = false} : vector<128x128xf32>, vector<128x1024xf32>, vector<128x1024xf32> -> vector<128x1024xf32>
    %reshape3A_178 = vector.shape_cast %dot_general3A_177 : vector<128x1024xf32> to vector<8x16x1024xf32>
    %slice3A_179 = vector.extract_strided_slice %reshape3A_178 {offsets = [0, 0, 0], sizes = [8, 8, 1024], strides = [1, 1, 1]} : vector<8x16x1024xf32> to vector<8x8x1024xf32>
    %slice3A_180 = vector.extract_strided_slice %reshape3A_178 {offsets = [0, 8, 0], sizes = [8, 8, 1024], strides = [1, 1, 1]} : vector<8x16x1024xf32> to vector<8x8x1024xf32>
    %max3A_181 = arith.maximumf %slice3A_179, %slice3A_180 : vector<8x8x1024xf32>
    %slice3A_182 = vector.extract_strided_slice %max3A_181 {offsets = [0, 0, 0], sizes = [8, 4, 1024], strides = [1, 1, 1]} : vector<8x8x1024xf32> to vector<8x4x1024xf32>
    %slice3A_183 = vector.extract_strided_slice %max3A_181 {offsets = [0, 4, 0], sizes = [8, 4, 1024], strides = [1, 1, 1]} : vector<8x8x1024xf32> to vector<8x4x1024xf32>
    %max3A_184 = arith.maximumf %slice3A_182, %slice3A_183 : vector<8x4x1024xf32>
    %slice3A_185 = vector.extract_strided_slice %max3A_184 {offsets = [0, 0, 0], sizes = [8, 2, 1024], strides = [1, 1, 1]} : vector<8x4x1024xf32> to vector<8x2x1024xf32>
    %slice3A_186 = vector.extract_strided_slice %max3A_184 {offsets = [0, 2, 0], sizes = [8, 2, 1024], strides = [1, 1, 1]} : vector<8x4x1024xf32> to vector<8x2x1024xf32>
    %max3A_187 = arith.maximumf %slice3A_185, %slice3A_186 : vector<8x2x1024xf32>
    %slice3A_188 = vector.extract_strided_slice %max3A_187 {offsets = [0, 0, 0], sizes = [8, 1, 1024], strides = [1, 1, 1]} : vector<8x2x1024xf32> to vector<8x1x1024xf32>
    %slice3A_189 = vector.extract_strided_slice %max3A_187 {offsets = [0, 1, 0], sizes = [8, 1, 1024], strides = [1, 1, 1]} : vector<8x2x1024xf32> to vector<8x1x1024xf32>
    %max3A_190 = arith.maximumf %slice3A_188, %slice3A_189 : vector<8x1x1024xf32>
    %iota3A_191 = tpu.iota {dimensions = array<i32: 1>} : vector<8x16x1024xi32>
    %eq3A_192 = vector.broadcast %max3A_190 : vector<8x1x1024xf32> to vector<8x16x1024xf32>
    %eq3A_193 = arith.cmpf oeq, %reshape3A_178, %eq3A_192 : vector<8x16x1024xf32>
    %jit3A_194 = arith.constant 16 : i32
    %broadcast_in_dim3A_195 = vector.broadcast %jit3A_194 : i32 to vector<8x16x1024xi32>
    %select_n3A_196 = arith.select %eq3A_193, %iota3A_191, %broadcast_in_dim3A_195 : vector<8x16x1024xi1>, vector<8x16x1024xi32>
    %slice3A_197 = vector.extract_strided_slice %select_n3A_196 {offsets = [0, 0, 0], sizes = [8, 8, 1024], strides = [1, 1, 1]} : vector<8x16x1024xi32> to vector<8x8x1024xi32>
    %slice3A_198 = vector.extract_strided_slice %select_n3A_196 {offsets = [0, 8, 0], sizes = [8, 8, 1024], strides = [1, 1, 1]} : vector<8x16x1024xi32> to vector<8x8x1024xi32>
    %min3A_199 = arith.minsi %slice3A_197, %slice3A_198 : vector<8x8x1024xi32>
    %slice3A_200 = vector.extract_strided_slice %min3A_199 {offsets = [0, 0, 0], sizes = [8, 4, 1024], strides = [1, 1, 1]} : vector<8x8x1024xi32> to vector<8x4x1024xi32>
    %slice3A_201 = vector.extract_strided_slice %min3A_199 {offsets = [0, 4, 0], sizes = [8, 4, 1024], strides = [1, 1, 1]} : vector<8x8x1024xi32> to vector<8x4x1024xi32>
    %min3A_202 = arith.minsi %slice3A_200, %slice3A_201 : vector<8x4x1024xi32>
    %slice3A_203 = vector.extract_strided_slice %min3A_202 {offsets = [0, 0, 0], sizes = [8, 2, 1024], strides = [1, 1, 1]} : vector<8x4x1024xi32> to vector<8x2x1024xi32>
    %slice3A_204 = vector.extract_strided_slice %min3A_202 {offsets = [0, 2, 0], sizes = [8, 2, 1024], strides = [1, 1, 1]} : vector<8x4x1024xi32> to vector<8x2x1024xi32>
    %min3A_205 = arith.minsi %slice3A_203, %slice3A_204 : vector<8x2x1024xi32>
    %slice3A_206 = vector.extract_strided_slice %min3A_205 {offsets = [0, 0, 0], sizes = [8, 1, 1024], strides = [1, 1, 1]} : vector<8x2x1024xi32> to vector<8x1x1024xi32>
    %slice3A_207 = vector.extract_strided_slice %min3A_205 {offsets = [0, 1, 0], sizes = [8, 1, 1024], strides = [1, 1, 1]} : vector<8x2x1024xi32> to vector<8x1x1024xi32>
    %min3A_208 = arith.minsi %slice3A_206, %slice3A_207 : vector<8x1x1024xi32>
    %eq3A_209 = vector.broadcast %min3A_208 : vector<8x1x1024xi32> to vector<8x16x1024xi32>
    %eq3A_210 = arith.cmpi eq, %iota3A_191, %eq3A_209 : vector<8x16x1024xi32>
    %convert_element_type3A_211 = arith.extui %eq3A_210 : vector<8x16x1024xi1> to vector<8x16x1024xi32>
    %convert_element_type3A_212 = arith.sitofp %convert_element_type3A_211 : vector<8x16x1024xi32> to vector<8x16x1024xf32>
    %reshape3A_213 = vector.shape_cast %convert_element_type3A_212 : vector<8x16x1024xf32> to vector<128x1024xf32>
    %dot_general3A_214 = arith.constant dense<0.000000e+00> : vector<64x1024xf32>
    %dot_general3A_215 = tpu.matmul %get3A_95, %reshape3A_213, %dot_general3A_214 {dimension_numbers = #tpu.dot_dimension_numbers<[1], [0], [0], [1], [0, 0, 1, 1], [], []>, transpose_lhs_hint = false} : vector<64x128xf32>, vector<128x1024xf32>, vector<64x1024xf32> -> vector<64x1024xf32>
    %add3A_216 = arith.addf %get3A_160, %dot_general3A_215 : vector<64x1024xf32>
    %swap3A_217 = arith.constant 0 : index
    %swap3A_218 = arith.constant 0 : index
    %swap3A_219 = vector.load %arg19[%swap3A_217, %swap3A_218] : memref<64x1024xf32, #tpu.memory_space<vmem>>, vector<64x1024xf32>
    tpu.vector_store %arg19[%swap3A_217, %swap3A_218], %add3A_216 {strides = array<i32>} : memref<64x1024xf32, #tpu.memory_space<vmem>>, vector<64x1024xf32>,
    %get3A_220 = arith.constant 0 : index
    %get3A_221 = arith.constant 2048 : index
    %get3A_222 = vector.load %arg20[%get3A_220, %get3A_221] : memref<64x5120xf32, #tpu.memory_space<vmem>>, vector<64x1024xf32>
    %get3A_223 = arith.constant 0 : index
    %get3A_224 = arith.constant 0 : index
    %get3A_225 = vector.load %arg19[%get3A_223, %get3A_224] : memref<64x1024xf32, #tpu.memory_space<vmem>>, vector<64x1024xf32>
    %dot_general3A_226 = arith.constant dense<0.000000e+00> : vector<128x1024xf32>
    %dot_general3A_227 = tpu.matmul %get3A_86, %get3A_225, %dot_general3A_226 {dimension_numbers = #tpu.dot_dimension_numbers<[1], [0], [0], [1], [0, 0, 1, 1], [], []>, transpose_lhs_hint = false} : vector<128x64xf32>, vector<64x1024xf32>, vector<128x1024xf32> -> vector<128x1024xf32>
    %sub3A_228 = vector.broadcast %get3A_89 : vector<128x1xf32> to vector<128x1024xf32>
    %sub3A_229 = arith.subf %dot_general3A_227, %sub3A_228 : vector<128x1024xf32>
    %gt3A_230 = arith.constant 0.000000e+00 : f32
    %gt3A_231 = vector.broadcast %gt3A_230 : f32 to vector<128x1024xf32>
    %gt3A_232 = arith.cmpf ogt, %sub3A_229, %gt3A_231 : vector<128x1024xf32>
    %jit3A_233 = arith.constant 1.000000e+00 : f32
    %jit3A_234 = arith.constant -1.000000e+00 : f32
    %broadcast_in_dim3A_235 = vector.broadcast %jit3A_233 : f32 to vector<128x1024xf32>
    %broadcast_in_dim3A_236 = vector.broadcast %jit3A_234 : f32 to vector<128x1024xf32>
    %select_n3A_237 = arith.select %gt3A_232, %broadcast_in_dim3A_235, %broadcast_in_dim3A_236 : vector<128x1024xi1>, vector<128x1024xf32>
    %dot_general3A_238 = arith.constant dense<0.000000e+00> : vector<128x1024xf32>
    %dot_general3A_239 = tpu.matmul %get3A_92, %select_n3A_237, %dot_general3A_238 {dimension_numbers = #tpu.dot_dimension_numbers<[1], [0], [0], [1], [0, 0, 1, 1], [], []>, transpose_lhs_hint = false} : vector<128x128xf32>, vector<128x1024xf32>, vector<128x1024xf32> -> vector<128x1024xf32>
    %reshape3A_240 = vector.shape_cast %dot_general3A_239 : vector<128x1024xf32> to vector<8x16x1024xf32>
    %slice3A_241 = vector.extract_strided_slice %reshape3A_240 {offsets = [0, 0, 0], sizes = [8, 8, 1024], strides = [1, 1, 1]} : vector<8x16x1024xf32> to vector<8x8x1024xf32>
    %slice3A_242 = vector.extract_strided_slice %reshape3A_240 {offsets = [0, 8, 0], sizes = [8, 8, 1024], strides = [1, 1, 1]} : vector<8x16x1024xf32> to vector<8x8x1024xf32>
    %max3A_243 = arith.maximumf %slice3A_241, %slice3A_242 : vector<8x8x1024xf32>
    %slice3A_244 = vector.extract_strided_slice %max3A_243 {offsets = [0, 0, 0], sizes = [8, 4, 1024], strides = [1, 1, 1]} : vector<8x8x1024xf32> to vector<8x4x1024xf32>
    %slice3A_245 = vector.extract_strided_slice %max3A_243 {offsets = [0, 4, 0], sizes = [8, 4, 1024], strides = [1, 1, 1]} : vector<8x8x1024xf32> to vector<8x4x1024xf32>
    %max3A_246 = arith.maximumf %slice3A_244, %slice3A_245 : vector<8x4x1024xf32>
    %slice3A_247 = vector.extract_strided_slice %max3A_246 {offsets = [0, 0, 0], sizes = [8, 2, 1024], strides = [1, 1, 1]} : vector<8x4x1024xf32> to vector<8x2x1024xf32>
    %slice3A_248 = vector.extract_strided_slice %max3A_246 {offsets = [0, 2, 0], sizes = [8, 2, 1024], strides = [1, 1, 1]} : vector<8x4x1024xf32> to vector<8x2x1024xf32>
    %max3A_249 = arith.maximumf %slice3A_247, %slice3A_248 : vector<8x2x1024xf32>
    %slice3A_250 = vector.extract_strided_slice %max3A_249 {offsets = [0, 0, 0], sizes = [8, 1, 1024], strides = [1, 1, 1]} : vector<8x2x1024xf32> to vector<8x1x1024xf32>
    %slice3A_251 = vector.extract_strided_slice %max3A_249 {offsets = [0, 1, 0], sizes = [8, 1, 1024], strides = [1, 1, 1]} : vector<8x2x1024xf32> to vector<8x1x1024xf32>
    %max3A_252 = arith.maximumf %slice3A_250, %slice3A_251 : vector<8x1x1024xf32>
    %iota3A_253 = tpu.iota {dimensions = array<i32: 1>} : vector<8x16x1024xi32>
    %eq3A_254 = vector.broadcast %max3A_252 : vector<8x1x1024xf32> to vector<8x16x1024xf32>
    %eq3A_255 = arith.cmpf oeq, %reshape3A_240, %eq3A_254 : vector<8x16x1024xf32>
    %jit3A_256 = arith.constant 16 : i32
    %broadcast_in_dim3A_257 = vector.broadcast %jit3A_256 : i32 to vector<8x16x1024xi32>
    %select_n3A_258 = arith.select %eq3A_255, %iota3A_253, %broadcast_in_dim3A_257 : vector<8x16x1024xi1>, vector<8x16x1024xi32>
    %slice3A_259 = vector.extract_strided_slice %select_n3A_258 {offsets = [0, 0, 0], sizes = [8, 8, 1024], strides = [1, 1, 1]} : vector<8x16x1024xi32> to vector<8x8x1024xi32>
    %slice3A_260 = vector.extract_strided_slice %select_n3A_258 {offsets = [0, 8, 0], sizes = [8, 8, 1024], strides = [1, 1, 1]} : vector<8x16x1024xi32> to vector<8x8x1024xi32>
    %min3A_261 = arith.minsi %slice3A_259, %slice3A_260 : vector<8x8x1024xi32>
    %slice3A_262 = vector.extract_strided_slice %min3A_261 {offsets = [0, 0, 0], sizes = [8, 4, 1024], strides = [1, 1, 1]} : vector<8x8x1024xi32> to vector<8x4x1024xi32>
    %slice3A_263 = vector.extract_strided_slice %min3A_261 {offsets = [0, 4, 0], sizes = [8, 4, 1024], strides = [1, 1, 1]} : vector<8x8x1024xi32> to vector<8x4x1024xi32>
    %min3A_264 = arith.minsi %slice3A_262, %slice3A_263 : vector<8x4x1024xi32>
    %slice3A_265 = vector.extract_strided_slice %min3A_264 {offsets = [0, 0, 0], sizes = [8, 2, 1024], strides = [1, 1, 1]} : vector<8x4x1024xi32> to vector<8x2x1024xi32>
    %slice3A_266 = vector.extract_strided_slice %min3A_264 {offsets = [0, 2, 0], sizes = [8, 2, 1024], strides = [1, 1, 1]} : vector<8x4x1024xi32> to vector<8x2x1024xi32>
    %min3A_267 = arith.minsi %slice3A_265, %slice3A_266 : vector<8x2x1024xi32>
    %slice3A_268 = vector.extract_strided_slice %min3A_267 {offsets = [0, 0, 0], sizes = [8, 1, 1024], strides = [1, 1, 1]} : vector<8x2x1024xi32> to vector<8x1x1024xi32>
    %slice3A_269 = vector.extract_strided_slice %min3A_267 {offsets = [0, 1, 0], sizes = [8, 1, 1024], strides = [1, 1, 1]} : vector<8x2x1024xi32> to vector<8x1x1024xi32>
    %min3A_270 = arith.minsi %slice3A_268, %slice3A_269 : vector<8x1x1024xi32>
    %eq3A_271 = vector.broadcast %min3A_270 : vector<8x1x1024xi32> to vector<8x16x1024xi32>
    %eq3A_272 = arith.cmpi eq, %iota3A_253, %eq3A_271 : vector<8x16x1024xi32>
    %convert_element_type3A_273 = arith.extui %eq3A_272 : vector<8x16x1024xi1> to vector<8x16x1024xi32>
    %convert_element_type3A_274 = arith.sitofp %convert_element_type3A_273 : vector<8x16x1024xi32> to vector<8x16x1024xf32>
    %reshape3A_275 = vector.shape_cast %convert_element_type3A_274 : vector<8x16x1024xf32> to vector<128x1024xf32>
    %dot_general3A_276 = arith.constant dense<0.000000e+00> : vector<64x1024xf32>
    %dot_general3A_277 = tpu.matmul %get3A_95, %reshape3A_275, %dot_general3A_276 {dimension_numbers = #tpu.dot_dimension_numbers<[1], [0], [0], [1], [0, 0, 1, 1], [], []>, transpose_lhs_hint = false} : vector<64x128xf32>, vector<128x1024xf32>, vector<64x1024xf32> -> vector<64x1024xf32>
    %add3A_278 = arith.addf %get3A_222, %dot_general3A_277 : vector<64x1024xf32>
    %swap3A_279 = arith.constant 0 : index
    %swap3A_280 = arith.constant 0 : index
    %swap3A_281 = vector.load %arg19[%swap3A_279, %swap3A_280] : memref<64x1024xf32, #tpu.memory_space<vmem>>, vector<64x1024xf32>
    tpu.vector_store %arg19[%swap3A_279, %swap3A_280], %add3A_278 {strides = array<i32>} : memref<64x1024xf32, #tpu.memory_space<vmem>>, vector<64x1024xf32>,
    %get3A_282 = arith.constant 0 : index
    %get3A_283 = arith.constant 3072 : index
    %get3A_284 = vector.load %arg20[%get3A_282, %get3A_283] : memref<64x5120xf32, #tpu.memory_space<vmem>>, vector<64x1024xf32>
    %get3A_285 = arith.constant 0 : index
    %get3A_286 = arith.constant 0 : index
    %get3A_287 = vector.load %arg19[%get3A_285, %get3A_286] : memref<64x1024xf32, #tpu.memory_space<vmem>>, vector<64x1024xf32>
    %dot_general3A_288 = arith.constant dense<0.000000e+00> : vector<128x1024xf32>
    %dot_general3A_289 = tpu.matmul %get3A_86, %get3A_287, %dot_general3A_288 {dimension_numbers = #tpu.dot_dimension_numbers<[1], [0], [0], [1], [0, 0, 1, 1], [], []>, transpose_lhs_hint = false} : vector<128x64xf32>, vector<64x1024xf32>, vector<128x1024xf32> -> vector<128x1024xf32>
    %sub3A_290 = vector.broadcast %get3A_89 : vector<128x1xf32> to vector<128x1024xf32>
    %sub3A_291 = arith.subf %dot_general3A_289, %sub3A_290 : vector<128x1024xf32>
    %gt3A_292 = arith.constant 0.000000e+00 : f32
    %gt3A_293 = vector.broadcast %gt3A_292 : f32 to vector<128x1024xf32>
    %gt3A_294 = arith.cmpf ogt, %sub3A_291, %gt3A_293 : vector<128x1024xf32>
    %jit3A_295 = arith.constant 1.000000e+00 : f32
    %jit3A_296 = arith.constant -1.000000e+00 : f32
    %broadcast_in_dim3A_297 = vector.broadcast %jit3A_295 : f32 to vector<128x1024xf32>
    %broadcast_in_dim3A_298 = vector.broadcast %jit3A_296 : f32 to vector<128x1024xf32>
    %select_n3A_299 = arith.select %gt3A_294, %broadcast_in_dim3A_297, %broadcast_in_dim3A_298 : vector<128x1024xi1>, vector<128x1024xf32>
    %dot_general3A_300 = arith.constant dense<0.000000e+00> : vector<128x1024xf32>
    %dot_general3A_301 = tpu.matmul %get3A_92, %select_n3A_299, %dot_general3A_300 {dimension_numbers = #tpu.dot_dimension_numbers<[1], [0], [0], [1], [0, 0, 1, 1], [], []>, transpose_lhs_hint = false} : vector<128x128xf32>, vector<128x1024xf32>, vector<128x1024xf32> -> vector<128x1024xf32>
    %reshape3A_302 = vector.shape_cast %dot_general3A_301 : vector<128x1024xf32> to vector<8x16x1024xf32>
    %slice3A_303 = vector.extract_strided_slice %reshape3A_302 {offsets = [0, 0, 0], sizes = [8, 8, 1024], strides = [1, 1, 1]} : vector<8x16x1024xf32> to vector<8x8x1024xf32>
    %slice3A_304 = vector.extract_strided_slice %reshape3A_302 {offsets = [0, 8, 0], sizes = [8, 8, 1024], strides = [1, 1, 1]} : vector<8x16x1024xf32> to vector<8x8x1024xf32>
    %max3A_305 = arith.maximumf %slice3A_303, %slice3A_304 : vector<8x8x1024xf32>
    %slice3A_306 = vector.extract_strided_slice %max3A_305 {offsets = [0, 0, 0], sizes = [8, 4, 1024], strides = [1, 1, 1]} : vector<8x8x1024xf32> to vector<8x4x1024xf32>
    %slice3A_307 = vector.extract_strided_slice %max3A_305 {offsets = [0, 4, 0], sizes = [8, 4, 1024], strides = [1, 1, 1]} : vector<8x8x1024xf32> to vector<8x4x1024xf32>
    %max3A_308 = arith.maximumf %slice3A_306, %slice3A_307 : vector<8x4x1024xf32>
    %slice3A_309 = vector.extract_strided_slice %max3A_308 {offsets = [0, 0, 0], sizes = [8, 2, 1024], strides = [1, 1, 1]} : vector<8x4x1024xf32> to vector<8x2x1024xf32>
    %slice3A_310 = vector.extract_strided_slice %max3A_308 {offsets = [0, 2, 0], sizes = [8, 2, 1024], strides = [1, 1, 1]} : vector<8x4x1024xf32> to vector<8x2x1024xf32>
    %max3A_311 = arith.maximumf %slice3A_309, %slice3A_310 : vector<8x2x1024xf32>
    %slice3A_312 = vector.extract_strided_slice %max3A_311 {offsets = [0, 0, 0], sizes = [8, 1, 1024], strides = [1, 1, 1]} : vector<8x2x1024xf32> to vector<8x1x1024xf32>
    %slice3A_313 = vector.extract_strided_slice %max3A_311 {offsets = [0, 1, 0], sizes = [8, 1, 1024], strides = [1, 1, 1]} : vector<8x2x1024xf32> to vector<8x1x1024xf32>
    %max3A_314 = arith.maximumf %slice3A_312, %slice3A_313 : vector<8x1x1024xf32>
    %iota3A_315 = tpu.iota {dimensions = array<i32: 1>} : vector<8x16x1024xi32>
    %eq3A_316 = vector.broadcast %max3A_314 : vector<8x1x1024xf32> to vector<8x16x1024xf32>
    %eq3A_317 = arith.cmpf oeq, %reshape3A_302, %eq3A_316 : vector<8x16x1024xf32>
    %jit3A_318 = arith.constant 16 : i32
    %broadcast_in_dim3A_319 = vector.broadcast %jit3A_318 : i32 to vector<8x16x1024xi32>
    %select_n3A_320 = arith.select %eq3A_317, %iota3A_315, %broadcast_in_dim3A_319 : vector<8x16x1024xi1>, vector<8x16x1024xi32>
    %slice3A_321 = vector.extract_strided_slice %select_n3A_320 {offsets = [0, 0, 0], sizes = [8, 8, 1024], strides = [1, 1, 1]} : vector<8x16x1024xi32> to vector<8x8x1024xi32>
    %slice3A_322 = vector.extract_strided_slice %select_n3A_320 {offsets = [0, 8, 0], sizes = [8, 8, 1024], strides = [1, 1, 1]} : vector<8x16x1024xi32> to vector<8x8x1024xi32>
    %min3A_323 = arith.minsi %slice3A_321, %slice3A_322 : vector<8x8x1024xi32>
    %slice3A_324 = vector.extract_strided_slice %min3A_323 {offsets = [0, 0, 0], sizes = [8, 4, 1024], strides = [1, 1, 1]} : vector<8x8x1024xi32> to vector<8x4x1024xi32>
    %slice3A_325 = vector.extract_strided_slice %min3A_323 {offsets = [0, 4, 0], sizes = [8, 4, 1024], strides = [1, 1, 1]} : vector<8x8x1024xi32> to vector<8x4x1024xi32>
    %min3A_326 = arith.minsi %slice3A_324, %slice3A_325 : vector<8x4x1024xi32>
    %slice3A_327 = vector.extract_strided_slice %min3A_326 {offsets = [0, 0, 0], sizes = [8, 2, 1024], strides = [1, 1, 1]} : vector<8x4x1024xi32> to vector<8x2x1024xi32>
    %slice3A_328 = vector.extract_strided_slice %min3A_326 {offsets = [0, 2, 0], sizes = [8, 2, 1024], strides = [1, 1, 1]} : vector<8x4x1024xi32> to vector<8x2x1024xi32>
    %min3A_329 = arith.minsi %slice3A_327, %slice3A_328 : vector<8x2x1024xi32>
    %slice3A_330 = vector.extract_strided_slice %min3A_329 {offsets = [0, 0, 0], sizes = [8, 1, 1024], strides = [1, 1, 1]} : vector<8x2x1024xi32> to vector<8x1x1024xi32>
    %slice3A_331 = vector.extract_strided_slice %min3A_329 {offsets = [0, 1, 0], sizes = [8, 1, 1024], strides = [1, 1, 1]} : vector<8x2x1024xi32> to vector<8x1x1024xi32>
    %min3A_332 = arith.minsi %slice3A_330, %slice3A_331 : vector<8x1x1024xi32>
    %eq3A_333 = vector.broadcast %min3A_332 : vector<8x1x1024xi32> to vector<8x16x1024xi32>
    %eq3A_334 = arith.cmpi eq, %iota3A_315, %eq3A_333 : vector<8x16x1024xi32>
    %convert_element_type3A_335 = arith.extui %eq3A_334 : vector<8x16x1024xi1> to vector<8x16x1024xi32>
    %convert_element_type3A_336 = arith.sitofp %convert_element_type3A_335 : vector<8x16x1024xi32> to vector<8x16x1024xf32>
    %reshape3A_337 = vector.shape_cast %convert_element_type3A_336 : vector<8x16x1024xf32> to vector<128x1024xf32>
    %dot_general3A_338 = arith.constant dense<0.000000e+00> : vector<64x1024xf32>
    %dot_general3A_339 = tpu.matmul %get3A_95, %reshape3A_337, %dot_general3A_338 {dimension_numbers = #tpu.dot_dimension_numbers<[1], [0], [0], [1], [0, 0, 1, 1], [], []>, transpose_lhs_hint = false} : vector<64x128xf32>, vector<128x1024xf32>, vector<64x1024xf32> -> vector<64x1024xf32>
    %add3A_340 = arith.addf %get3A_284, %dot_general3A_339 : vector<64x1024xf32>
    %swap3A_341 = arith.constant 0 : index
    %swap3A_342 = arith.constant 0 : index
    %swap3A_343 = vector.load %arg19[%swap3A_341, %swap3A_342] : memref<64x1024xf32, #tpu.memory_space<vmem>>, vector<64x1024xf32>
    tpu.vector_store %arg19[%swap3A_341, %swap3A_342], %add3A_340 {strides = array<i32>} : memref<64x1024xf32, #tpu.memory_space<vmem>>, vector<64x1024xf32>,
    %get3A_344 = arith.constant 0 : index
    %get3A_345 = arith.constant 4096 : index
    %get3A_346 = vector.load %arg20[%get3A_344, %get3A_345] : memref<64x5120xf32, #tpu.memory_space<vmem>>, vector<64x1024xf32>
    %get3A_347 = arith.constant 0 : index
    %get3A_348 = arith.constant 0 : index
    %get3A_349 = vector.load %arg19[%get3A_347, %get3A_348] : memref<64x1024xf32, #tpu.memory_space<vmem>>, vector<64x1024xf32>
    %dot_general3A_350 = arith.constant dense<0.000000e+00> : vector<128x1024xf32>
    %dot_general3A_351 = tpu.matmul %get3A_86, %get3A_349, %dot_general3A_350 {dimension_numbers = #tpu.dot_dimension_numbers<[1], [0], [0], [1], [0, 0, 1, 1], [], []>, transpose_lhs_hint = false} : vector<128x64xf32>, vector<64x1024xf32>, vector<128x1024xf32> -> vector<128x1024xf32>
    %sub3A_352 = vector.broadcast %get3A_89 : vector<128x1xf32> to vector<128x1024xf32>
    %sub3A_353 = arith.subf %dot_general3A_351, %sub3A_352 : vector<128x1024xf32>
    %gt3A_354 = arith.constant 0.000000e+00 : f32
    %gt3A_355 = vector.broadcast %gt3A_354 : f32 to vector<128x1024xf32>
    %gt3A_356 = arith.cmpf ogt, %sub3A_353, %gt3A_355 : vector<128x1024xf32>
    %jit3A_357 = arith.constant 1.000000e+00 : f32
    %jit3A_358 = arith.constant -1.000000e+00 : f32
    %broadcast_in_dim3A_359 = vector.broadcast %jit3A_357 : f32 to vector<128x1024xf32>
    %broadcast_in_dim3A_360 = vector.broadcast %jit3A_358 : f32 to vector<128x1024xf32>
    %select_n3A_361 = arith.select %gt3A_356, %broadcast_in_dim3A_359, %broadcast_in_dim3A_360 : vector<128x1024xi1>, vector<128x1024xf32>
    %dot_general3A_362 = arith.constant dense<0.000000e+00> : vector<128x1024xf32>
    %dot_general3A_363 = tpu.matmul %get3A_92, %select_n3A_361, %dot_general3A_362 {dimension_numbers = #tpu.dot_dimension_numbers<[1], [0], [0], [1], [0, 0, 1, 1], [], []>, transpose_lhs_hint = false} : vector<128x128xf32>, vector<128x1024xf32>, vector<128x1024xf32> -> vector<128x1024xf32>
    %reshape3A_364 = vector.shape_cast %dot_general3A_363 : vector<128x1024xf32> to vector<8x16x1024xf32>
    %slice3A_365 = vector.extract_strided_slice %reshape3A_364 {offsets = [0, 0, 0], sizes = [8, 8, 1024], strides = [1, 1, 1]} : vector<8x16x1024xf32> to vector<8x8x1024xf32>
    %slice3A_366 = vector.extract_strided_slice %reshape3A_364 {offsets = [0, 8, 0], sizes = [8, 8, 1024], strides = [1, 1, 1]} : vector<8x16x1024xf32> to vector<8x8x1024xf32>
    %max3A_367 = arith.maximumf %slice3A_365, %slice3A_366 : vector<8x8x1024xf32>
    %slice3A_368 = vector.extract_strided_slice %max3A_367 {offsets = [0, 0, 0], sizes = [8, 4, 1024], strides = [1, 1, 1]} : vector<8x8x1024xf32> to vector<8x4x1024xf32>
    %slice3A_369 = vector.extract_strided_slice %max3A_367 {offsets = [0, 4, 0], sizes = [8, 4, 1024], strides = [1, 1, 1]} : vector<8x8x1024xf32> to vector<8x4x1024xf32>
    %max3A_370 = arith.maximumf %slice3A_368, %slice3A_369 : vector<8x4x1024xf32>
    %slice3A_371 = vector.extract_strided_slice %max3A_370 {offsets = [0, 0, 0], sizes = [8, 2, 1024], strides = [1, 1, 1]} : vector<8x4x1024xf32> to vector<8x2x1024xf32>
    %slice3A_372 = vector.extract_strided_slice %max3A_370 {offsets = [0, 2, 0], sizes = [8, 2, 1024], strides = [1, 1, 1]} : vector<8x4x1024xf32> to vector<8x2x1024xf32>
    %max3A_373 = arith.maximumf %slice3A_371, %slice3A_372 : vector<8x2x1024xf32>
    %slice3A_374 = vector.extract_strided_slice %max3A_373 {offsets = [0, 0, 0], sizes = [8, 1, 1024], strides = [1, 1, 1]} : vector<8x2x1024xf32> to vector<8x1x1024xf32>
    %slice3A_375 = vector.extract_strided_slice %max3A_373 {offsets = [0, 1, 0], sizes = [8, 1, 1024], strides = [1, 1, 1]} : vector<8x2x1024xf32> to vector<8x1x1024xf32>
    %max3A_376 = arith.maximumf %slice3A_374, %slice3A_375 : vector<8x1x1024xf32>
    %iota3A_377 = tpu.iota {dimensions = array<i32: 1>} : vector<8x16x1024xi32>
    %eq3A_378 = vector.broadcast %max3A_376 : vector<8x1x1024xf32> to vector<8x16x1024xf32>
    %eq3A_379 = arith.cmpf oeq, %reshape3A_364, %eq3A_378 : vector<8x16x1024xf32>
    %jit3A_380 = arith.constant 16 : i32
    %broadcast_in_dim3A_381 = vector.broadcast %jit3A_380 : i32 to vector<8x16x1024xi32>
    %select_n3A_382 = arith.select %eq3A_379, %iota3A_377, %broadcast_in_dim3A_381 : vector<8x16x1024xi1>, vector<8x16x1024xi32>
    %slice3A_383 = vector.extract_strided_slice %select_n3A_382 {offsets = [0, 0, 0], sizes = [8, 8, 1024], strides = [1, 1, 1]} : vector<8x16x1024xi32> to vector<8x8x1024xi32>
    %slice3A_384 = vector.extract_strided_slice %select_n3A_382 {offsets = [0, 8, 0], sizes = [8, 8, 1024], strides = [1, 1, 1]} : vector<8x16x1024xi32> to vector<8x8x1024xi32>
    %min3A_385 = arith.minsi %slice3A_383, %slice3A_384 : vector<8x8x1024xi32>
    %slice3A_386 = vector.extract_strided_slice %min3A_385 {offsets = [0, 0, 0], sizes = [8, 4, 1024], strides = [1, 1, 1]} : vector<8x8x1024xi32> to vector<8x4x1024xi32>
    %slice3A_387 = vector.extract_strided_slice %min3A_385 {offsets = [0, 4, 0], sizes = [8, 4, 1024], strides = [1, 1, 1]} : vector<8x8x1024xi32> to vector<8x4x1024xi32>
    %min3A_388 = arith.minsi %slice3A_386, %slice3A_387 : vector<8x4x1024xi32>
    %slice3A_389 = vector.extract_strided_slice %min3A_388 {offsets = [0, 0, 0], sizes = [8, 2, 1024], strides = [1, 1, 1]} : vector<8x4x1024xi32> to vector<8x2x1024xi32>
    %slice3A_390 = vector.extract_strided_slice %min3A_388 {offsets = [0, 2, 0], sizes = [8, 2, 1024], strides = [1, 1, 1]} : vector<8x4x1024xi32> to vector<8x2x1024xi32>
    %min3A_391 = arith.minsi %slice3A_389, %slice3A_390 : vector<8x2x1024xi32>
    %slice3A_392 = vector.extract_strided_slice %min3A_391 {offsets = [0, 0, 0], sizes = [8, 1, 1024], strides = [1, 1, 1]} : vector<8x2x1024xi32> to vector<8x1x1024xi32>
    %slice3A_393 = vector.extract_strided_slice %min3A_391 {offsets = [0, 1, 0], sizes = [8, 1, 1024], strides = [1, 1, 1]} : vector<8x2x1024xi32> to vector<8x1x1024xi32>
    %min3A_394 = arith.minsi %slice3A_392, %slice3A_393 : vector<8x1x1024xi32>
    %eq3A_395 = vector.broadcast %min3A_394 : vector<8x1x1024xi32> to vector<8x16x1024xi32>
    %eq3A_396 = arith.cmpi eq, %iota3A_377, %eq3A_395 : vector<8x16x1024xi32>
    %convert_element_type3A_397 = arith.extui %eq3A_396 : vector<8x16x1024xi1> to vector<8x16x1024xi32>
    %convert_element_type3A_398 = arith.sitofp %convert_element_type3A_397 : vector<8x16x1024xi32> to vector<8x16x1024xf32>
    %reshape3A_399 = vector.shape_cast %convert_element_type3A_398 : vector<8x16x1024xf32> to vector<128x1024xf32>
    %dot_general3A_400 = arith.constant dense<0.000000e+00> : vector<64x1024xf32>
    %dot_general3A_401 = tpu.matmul %get3A_95, %reshape3A_399, %dot_general3A_400 {dimension_numbers = #tpu.dot_dimension_numbers<[1], [0], [0], [1], [0, 0, 1, 1], [], []>, transpose_lhs_hint = false} : vector<64x128xf32>, vector<128x1024xf32>, vector<64x1024xf32> -> vector<64x1024xf32>
    %add3A_402 = arith.addf %get3A_346, %dot_general3A_401 : vector<64x1024xf32>
    %swap3A_403 = arith.constant 0 : index
    %swap3A_404 = arith.constant 0 : index
    %swap3A_405 = vector.load %arg19[%swap3A_403, %swap3A_404] : memref<64x1024xf32, #tpu.memory_space<vmem>>, vector<64x1024xf32>
    tpu.vector_store %arg19[%swap3A_403, %swap3A_404], %add3A_402 {strides = array<i32>} : memref<64x1024xf32, #tpu.memory_space<vmem>>, vector<64x1024xf32>,
    %eq3A_406 = arith.constant 4 : i32
    %eq3A_407 = arith.cmpi eq, %arg0, %eq3A_406 : i32
    %convert_element_type3A_408 = arith.extui %eq3A_407 : i1 to i32
    %cond3A_409 = arith.constant 0 : i32
    %cond3A_410 = arith.cmpi ne, %convert_element_type3A_408, %cond3A_409 : i32
    scf.if %cond3A_410 {
      %get3A_411 = arith.constant 0 : index
      %get3A_412 = arith.constant 0 : index
      %get3A_413 = vector.load %arg19[%get3A_411, %get3A_412] : memref<64x1024xf32, #tpu.memory_space<vmem>>, vector<64x1024xf32>
      %get3A_414 = arith.constant 0 : index
      %get3A_415 = arith.constant 0 : index
      %get3A_416 = vector.load %arg13[%get3A_414, %get3A_415] : memref<128x64xf32, #tpu.memory_space<vmem>>, vector<128x64xf32>
      %get3A_417 = arith.constant 0 : index
      %get3A_418 = arith.constant 0 : index
      %get3A_419 = vector.load %arg14[%get3A_417, %get3A_418] : memref<128x1xf32, #tpu.memory_space<vmem>>, vector<128x1xf32>
      %get3A_420 = arith.constant 0 : index
      %get3A_421 = arith.constant 0 : index
      %get3A_422 = vector.load %arg15[%get3A_420, %get3A_421] : memref<128x128xf32, #tpu.memory_space<vmem>>, vector<128x128xf32>
      %dot_general3A_423 = arith.constant dense<0.000000e+00> : vector<128x1024xf32>
      %dot_general3A_424 = tpu.matmul %get3A_416, %get3A_413, %dot_general3A_423 {dimension_numbers = #tpu.dot_dimension_numbers<[1], [0], [0], [1], [0, 0, 1, 1], [], []>, transpose_lhs_hint = false} : vector<128x64xf32>, vector<64x1024xf32>, vector<128x1024xf32> -> vector<128x1024xf32>
      %sub3A_425 = vector.broadcast %get3A_419 : vector<128x1xf32> to vector<128x1024xf32>
      %sub3A_426 = arith.subf %dot_general3A_424, %sub3A_425 : vector<128x1024xf32>
      %gt3A_427 = arith.constant 0.000000e+00 : f32
      %gt3A_428 = vector.broadcast %gt3A_427 : f32 to vector<128x1024xf32>
      %gt3A_429 = arith.cmpf ogt, %sub3A_426, %gt3A_428 : vector<128x1024xf32>
      %jit3A_430 = arith.constant 1.000000e+00 : f32
      %jit3A_431 = arith.constant -1.000000e+00 : f32
      %broadcast_in_dim3A_432 = vector.broadcast %jit3A_430 : f32 to vector<128x1024xf32>
      %broadcast_in_dim3A_433 = vector.broadcast %jit3A_431 : f32 to vector<128x1024xf32>
      %select_n3A_434 = arith.select %gt3A_429, %broadcast_in_dim3A_432, %broadcast_in_dim3A_433 : vector<128x1024xi1>, vector<128x1024xf32>
      %dot_general3A_435 = arith.constant dense<0.000000e+00> : vector<128x1024xf32>
      %dot_general3A_436 = tpu.matmul %get3A_422, %select_n3A_434, %dot_general3A_435 {dimension_numbers = #tpu.dot_dimension_numbers<[1], [0], [0], [1], [0, 0, 1, 1], [], []>, transpose_lhs_hint = false} : vector<128x128xf32>, vector<128x1024xf32>, vector<128x1024xf32> -> vector<128x1024xf32>
      %reshape3A_437 = vector.shape_cast %dot_general3A_436 : vector<128x1024xf32> to vector<8x16x1024xf32>
      %slice3A_438 = vector.extract_strided_slice %reshape3A_437 {offsets = [0, 0, 0], sizes = [8, 8, 1024], strides = [1, 1, 1]} : vector<8x16x1024xf32> to vector<8x8x1024xf32>
      %slice3A_439 = vector.extract_strided_slice %reshape3A_437 {offsets = [0, 8, 0], sizes = [8, 8, 1024], strides = [1, 1, 1]} : vector<8x16x1024xf32> to vector<8x8x1024xf32>
      %max3A_440 = arith.maximumf %slice3A_438, %slice3A_439 : vector<8x8x1024xf32>
      %slice3A_441 = vector.extract_strided_slice %max3A_440 {offsets = [0, 0, 0], sizes = [8, 4, 1024], strides = [1, 1, 1]} : vector<8x8x1024xf32> to vector<8x4x1024xf32>
      %slice3A_442 = vector.extract_strided_slice %max3A_440 {offsets = [0, 4, 0], sizes = [8, 4, 1024], strides = [1, 1, 1]} : vector<8x8x1024xf32> to vector<8x4x1024xf32>
      %max3A_443 = arith.maximumf %slice3A_441, %slice3A_442 : vector<8x4x1024xf32>
      %slice3A_444 = vector.extract_strided_slice %max3A_443 {offsets = [0, 0, 0], sizes = [8, 2, 1024], strides = [1, 1, 1]} : vector<8x4x1024xf32> to vector<8x2x1024xf32>
      %slice3A_445 = vector.extract_strided_slice %max3A_443 {offsets = [0, 2, 0], sizes = [8, 2, 1024], strides = [1, 1, 1]} : vector<8x4x1024xf32> to vector<8x2x1024xf32>
      %max3A_446 = arith.maximumf %slice3A_444, %slice3A_445 : vector<8x2x1024xf32>
      %slice3A_447 = vector.extract_strided_slice %max3A_446 {offsets = [0, 0, 0], sizes = [8, 1, 1024], strides = [1, 1, 1]} : vector<8x2x1024xf32> to vector<8x1x1024xf32>
      %slice3A_448 = vector.extract_strided_slice %max3A_446 {offsets = [0, 1, 0], sizes = [8, 1, 1024], strides = [1, 1, 1]} : vector<8x2x1024xf32> to vector<8x1x1024xf32>
      %max3A_449 = arith.maximumf %slice3A_447, %slice3A_448 : vector<8x1x1024xf32>
      %iota3A_450 = tpu.iota {dimensions = array<i32: 1>} : vector<8x16x1024xi32>
      %eq3A_451 = vector.broadcast %max3A_449 : vector<8x1x1024xf32> to vector<8x16x1024xf32>
      %eq3A_452 = arith.cmpf oeq, %reshape3A_437, %eq3A_451 : vector<8x16x1024xf32>
      %jit3A_453 = arith.constant 16 : i32
      %broadcast_in_dim3A_454 = vector.broadcast %jit3A_453 : i32 to vector<8x16x1024xi32>
      %select_n3A_455 = arith.select %eq3A_452, %iota3A_450, %broadcast_in_dim3A_454 : vector<8x16x1024xi1>, vector<8x16x1024xi32>
      %slice3A_456 = vector.extract_strided_slice %select_n3A_455 {offsets = [0, 0, 0], sizes = [8, 8, 1024], strides = [1, 1, 1]} : vector<8x16x1024xi32> to vector<8x8x1024xi32>
      %slice3A_457 = vector.extract_strided_slice %select_n3A_455 {offsets = [0, 8, 0], sizes = [8, 8, 1024], strides = [1, 1, 1]} : vector<8x16x1024xi32> to vector<8x8x1024xi32>
      %min3A_458 = arith.minsi %slice3A_456, %slice3A_457 : vector<8x8x1024xi32>
      %slice3A_459 = vector.extract_strided_slice %min3A_458 {offsets = [0, 0, 0], sizes = [8, 4, 1024], strides = [1, 1, 1]} : vector<8x8x1024xi32> to vector<8x4x1024xi32>
      %slice3A_460 = vector.extract_strided_slice %min3A_458 {offsets = [0, 4, 0], sizes = [8, 4, 1024], strides = [1, 1, 1]} : vector<8x8x1024xi32> to vector<8x4x1024xi32>
      %min3A_461 = arith.minsi %slice3A_459, %slice3A_460 : vector<8x4x1024xi32>
      %slice3A_462 = vector.extract_strided_slice %min3A_461 {offsets = [0, 0, 0], sizes = [8, 2, 1024], strides = [1, 1, 1]} : vector<8x4x1024xi32> to vector<8x2x1024xi32>
      %slice3A_463 = vector.extract_strided_slice %min3A_461 {offsets = [0, 2, 0], sizes = [8, 2, 1024], strides = [1, 1, 1]} : vector<8x4x1024xi32> to vector<8x2x1024xi32>
      %min3A_464 = arith.minsi %slice3A_462, %slice3A_463 : vector<8x2x1024xi32>
      %slice3A_465 = vector.extract_strided_slice %min3A_464 {offsets = [0, 0, 0], sizes = [8, 1, 1024], strides = [1, 1, 1]} : vector<8x2x1024xi32> to vector<8x1x1024xi32>
      %slice3A_466 = vector.extract_strided_slice %min3A_464 {offsets = [0, 1, 0], sizes = [8, 1, 1024], strides = [1, 1, 1]} : vector<8x2x1024xi32> to vector<8x1x1024xi32>
      %min3A_467 = arith.minsi %slice3A_465, %slice3A_466 : vector<8x1x1024xi32>
      %eq3A_468 = vector.broadcast %min3A_467 : vector<8x1x1024xi32> to vector<8x16x1024xi32>
      %eq3A_469 = arith.cmpi eq, %iota3A_450, %eq3A_468 : vector<8x16x1024xi32>
      %convert_element_type3A_470 = arith.extui %eq3A_469 : vector<8x16x1024xi1> to vector<8x16x1024xi32>
      %convert_element_type3A_471 = arith.sitofp %convert_element_type3A_470 : vector<8x16x1024xi32> to vector<8x16x1024xf32>
      %reshape3A_472 = vector.shape_cast %convert_element_type3A_471 : vector<8x16x1024xf32> to vector<128x1024xf32>
      %get3A_473 = arith.constant 0 : index
      %get3A_474 = arith.constant 0 : index
      %get3A_475 = vector.load %arg16[%get3A_473, %get3A_474] : memref<100x128xf32, #tpu.memory_space<vmem>>, vector<100x128xf32>
      %dot_general3A_476 = arith.constant dense<0.000000e+00> : vector<1024x100xf32>
      %dot_general3A_477 = tpu.matmul %reshape3A_472, %get3A_475, %dot_general3A_476 {dimension_numbers = #tpu.dot_dimension_numbers<[0], [1], [1], [0], [0, 1, 1, 0], [], []>, transpose_lhs_hint = false} : vector<128x1024xf32>, vector<100x128xf32>, vector<1024x100xf32> -> vector<1024x100xf32>
      %reduce_max3A = arith.constant dense<0xFF800000> : vector<1024xf32>
      %reduce_max3A_478 = vector.multi_reduction <maximumf>, %dot_general3A_477, %reduce_max3A [1] : vector<1024x100xf32> to vector<1024xf32>
      %broadcast_in_dim3A_479 = vector.shape_cast %reduce_max3A_478 : vector<1024xf32> to vector<1024x1xf32>
      %sub3A_480 = vector.broadcast %broadcast_in_dim3A_479 : vector<1024x1xf32> to vector<1024x100xf32>
      %sub3A_481 = arith.subf %dot_general3A_477, %sub3A_480 : vector<1024x100xf32>
      %exp3A = math.exp %sub3A_481 : vector<1024x100xf32>
      %reduce_sum3A = arith.constant dense<0.000000e+00> : vector<1024xf32>
      %reduce_sum3A_482 = vector.multi_reduction <add>, %exp3A, %reduce_sum3A [1] : vector<1024x100xf32> to vector<1024xf32>
      %broadcast_in_dim3A_483 = vector.shape_cast %reduce_sum3A_482 : vector<1024xf32> to vector<1024x1xf32>
      %log3A = math.log %broadcast_in_dim3A_483 : vector<1024x1xf32>
      %sub3A_484 = vector.broadcast %log3A : vector<1024x1xf32> to vector<1024x100xf32>
      %sub3A_485 = arith.subf %sub3A_481, %sub3A_484 : vector<1024x100xf32>
      %swap3A_486 = arith.constant 0 : index
      %swap3A_487 = arith.constant 0 : index
      %swap3A_488 = vector.load %arg18[%swap3A_486, %swap3A_487] : memref<1024x100xf32, #tpu.memory_space<vmem>>, vector<1024x100xf32>
      tpu.vector_store %arg18[%swap3A_486, %swap3A_487], %sub3A_485 {strides = array<i32>} : memref<1024x100xf32, #tpu.memory_space<vmem>>, vector<1024x100xf32>,
    } else {
    }
    return
  }
  func.func @transform_0(%arg0: i32) -> (i32, i32) {
    %c0_i32 = arith.constant 0 : i32
    %c0_i32_0 = arith.constant 0 : i32
    return %arg0, %c0_i32 : i32, i32
  }
  func.func @transform_1(%arg0: i32) -> (i32, i32) {
    %c0_i32 = arith.constant 0 : i32
    %c0_i32_0 = arith.constant 0 : i32
    return %arg0, %c0_i32 : i32, i32
  }
  func.func @transform_2(%arg0: i32) -> (i32, i32) {
    %c0_i32 = arith.constant 0 : i32
    %c0_i32_0 = arith.constant 0 : i32
    return %arg0, %c0_i32 : i32, i32
  }
  func.func @transform_3(%arg0: i32) -> (i32, i32) {
    %c0_i32 = arith.constant 0 : i32
    %c0_i32_0 = arith.constant 0 : i32
    return %arg0, %c0_i32 : i32, i32
  }
  func.func @transform_4(%arg0: i32) -> (i32, i32) {
    %c0_i32 = arith.constant 0 : i32
    %c0_i32_0 = arith.constant 0 : i32
    %c0_i32_1 = arith.constant 0 : i32
    return %c0_i32, %c0_i32_0 : i32, i32
  }
  func.func @transform_5(%arg0: i32) -> (i32, i32) {
    %c0_i32 = arith.constant 0 : i32
    %c0_i32_0 = arith.constant 0 : i32
    %c0_i32_1 = arith.constant 0 : i32
    return %c0_i32, %c0_i32_0 : i32, i32
  }
  func.func @transform_6(%arg0: i32) -> (i32, i32) {
    %c0_i32 = arith.constant 0 : i32
    %c0_i32_0 = arith.constant 0 : i32
    %c0_i32_1 = arith.constant 0 : i32
    return %c0_i32, %c0_i32_0 : i32, i32
  }
  func.func @transform_7(%arg0: i32) -> (i32, i32) {
    %c0_i32 = arith.constant 0 : i32
    %c0_i32_0 = arith.constant 0 : i32
    %c0_i32_1 = arith.constant 0 : i32
    return %c0_i32, %c0_i32_0 : i32, i32
  }
  func.func @transform_8(%arg0: i32) -> (i32, i32) {
    %c0_i32 = arith.constant 0 : i32
    %c0_i32_0 = arith.constant 0 : i32
    %c0_i32_1 = arith.constant 0 : i32
    return %c0_i32, %c0_i32_0 : i32, i32
  }
  func.func @transform_9(%arg0: i32) -> (i32, i32) {
    %c0_i32 = arith.constant 0 : i32
    %c0_i32_0 = arith.constant 0 : i32
    %c0_i32_1 = arith.constant 0 : i32
    return %c0_i32, %c0_i32_0 : i32, i32
  }
  func.func @transform_10(%arg0: i32) -> (i32, i32) {
    %c0_i32 = arith.constant 0 : i32
    %c0_i32_0 = arith.constant 0 : i32
    %c0_i32_1 = arith.constant 0 : i32
    return %c0_i32, %c0_i32_0 : i32, i32
  }
  func.func @transform_11(%arg0: i32) -> (i32, i32) {
    %c0_i32 = arith.constant 0 : i32
    %c0_i32_0 = arith.constant 0 : i32
    %c0_i32_1 = arith.constant 0 : i32
    return %c0_i32, %c0_i32_0 : i32, i32
  }
  func.func @transform_12(%arg0: i32) -> (i32, i32) {
    %c0_i32 = arith.constant 0 : i32
    %c0_i32_0 = arith.constant 0 : i32
    %c0_i32_1 = arith.constant 0 : i32
    return %c0_i32, %c0_i32_0 : i32, i32
  }
  func.func @transform_13(%arg0: i32) -> (i32, i32) {
    %c0_i32 = arith.constant 0 : i32
    %c0_i32_0 = arith.constant 0 : i32
    %c0_i32_1 = arith.constant 0 : i32
    return %c0_i32, %c0_i32_0 : i32, i32
  }
  func.func @transform_14(%arg0: i32) -> (i32, i32) {
    %c0_i32 = arith.constant 0 : i32
    %c0_i32_0 = arith.constant 0 : i32
    %c0_i32_1 = arith.constant 0 : i32
    return %c0_i32, %c0_i32_0 : i32, i32
  }
  func.func @transform_15(%arg0: i32) -> (i32, i32) {
    %c0_i32 = arith.constant 0 : i32
    %c0_i32_0 = arith.constant 0 : i32
    %c0_i32_1 = arith.constant 0 : i32
    return %c0_i32, %c0_i32_0 : i32, i32
  }
  func.func @transform_16(%arg0: i32) -> (i32, i32) {
    %c0_i32 = arith.constant 0 : i32
    %c0_i32_0 = arith.constant 0 : i32
    %c0_i32_1 = arith.constant 0 : i32
    return %c0_i32, %c0_i32_0 : i32, i32
  }
  func.func @transform_17(%arg0: i32) -> (i32, i32) {
    %c0_i32 = arith.constant 0 : i32
    %c0_i32_0 = arith.constant 0 : i32
    %c0_i32_1 = arith.constant 0 : i32
    return %c0_i32, %c0_i32_0 : i32, i32
  }
}

</mosaic_0001>

<sc_bundles>
// kernel: kernel.6.cloned.1.call-start
scs
__scs_entry_jumppad:
0x0: {  	(pc) =	sbr.rel $0x88, $3  }
0x1: {  	(tag) =	ssettag $0x0;
	lr =	simm.s32 $0x1  }
0x2: {  	[smem:$0x3F96] =	sst lr;
	_ =	strace $0xD0000000  }
0x3: {  	_ = 	snop  }
0x4: {  	_ = 	snop  }
0x5: {  	_ = 	snop  }
0x6: {  	_ = 	snop  }
0x7: {  	_ = 	snop  }
__scs_overlays_trampoline_lowered:
0x8: {  	[smem:$0x3FA5] =	sst s0  }
0x9: {  	[smem:$0x3FA6] =	sst s1  }
0xa: {  	[smem:$0x3FA7] =	sst s2  }
0xb: {  	[smem:$0x3FA8] =	sst s3  }
0xc: {  	[smem:$0x3FA9] =	sst s4  }
0xd: {  	[smem:$0x3FAA] =	sst s5  }
0xe: {  	[smem:$0x3FAB] =	sst s6  }
0xf: {  	[smem:$0x3FAC] =	sst s7  }
0x10: {  	[smem:$0x3FAD] =	sst s8  }
0x11: {  	[smem:$0x3FAE] =	sst s9;
	s0 =	simm.s32 @!p0 $0x0  }
0x12: {  	s1 =	sld [smem:$0x3F94];
	s0 =	simm.s32 @p0 $0x1  }
0x13: {  	[smem:$0x3FAF] =	sst s0;
	s0 =	simm.s32 @!p1 $0x0  }
0x14: {  	s2 =	sld [smem:$0x3F93];
	s0 =	simm.s32 @p1 $0x1  }
0x15: {  	[smem:$0x3FB0] =	sst s0;
	s0 =	simm.s32 @!p2 $0x0  }
0x16: {  	s3 =	sld [smem:$0x3FDB];
	s0 =	simm.s32 @p2 $0x1  }
0x17: {  	s4 =	simm.s32 $0x1BF5;
	[smem:$0x3FB2] =	sst s0  }
0x18: {  	s0 =	sld [smem:$0x3F95];
	_ =	swait.ge [sflag:s4], $0x0  }
0x19: {  	s7 =	sld [smem:$0x3F96]  }
0x1a: {  	s8 =	sadd.s32 $0xFFFFE003, lr  }
0x1b: {  	s9 =	sadd.s32 $0xFFFFFEF7, lr;
	s5 =	simm.s32 $0xFFFFFFFF;
	p2 =	slt.u32 s8, $0xFFFFF086  }
0x1c: {  	p1 =	slt.u32 s9, $0xF7A;
	s5 =	simm.s32 @!p2 $0x0  }
0x1d: {  	s5 =	simm.s32 @p1 $0x1;
	p0 =	seq.s32 s7, s2  }
0x1e: {  	s7 =	smul.u32 @!p0 $0xF7A, s2;
	p2 =	seq.s32 @!p0 s5, $0x0  }
0x1f: {  	s9 =	smul.u32 $0xF7A, s1;
	s8 =	simm.s32 @!p0 $0x1BF5;
	p2 =	por !p2, p0  }
0x20: {  	[sflag:s8] =	ssyncset.s32 @!p0 $0xFFFFF086;
	s6 =	sadd.s32 @!p0 s3, s7;
	s7 =	simm.s32 @!p0 $0x108  }
0x21: {  	s3 =	sadd.s32 s3, s9;
	s6 =	sadd.s32 @!p0 $0x88, s6;
	s7 =	simm.s32 @p2 $0x1082  }
0x22: {  	[simem:s7], [sflag:s8] =	dma.local @!p0 [hbm:s6], $0xF7A  }
0x23: {  	s9 =	sor.u32 $0xD0000000, s2;
	s6 =	simm.s32 $0x108;
	_ =	swait.ge @!p0 [sflag:s8], $0x0  }
0x24: {  	s3 =	sadd.s32 $0x88, s3;
	s6 =	simm.s32 @!p1 $0x1082;
	[sflag:s4] =	ssyncset.s32 $0xFFFFF086  }
0x25: {  	[simem:s6], [sflag:s4] =	dma.local [hbm:s3], $0xF7A  }
0x26: {  	[smem:$0x3F96] =	sst s1;
	(tag) =	ssettag s2;
	_ =	strace s9  }
0x27: {  	s1 =	sld [smem:$0x3FA6]  }
0x28: {  	s2 =	sld [smem:$0x3FA7]  }
0x29: {  	s4 =	sld [smem:$0x3FA9]  }
0x2a: {  	p0 =	seq.s32 s5, $0x0;
	s5 =	sld [smem:$0x3FAA]  }
0x2b: {  	s6 =	sld [smem:$0x3FAB]  }
0x2c: {  	s7 =	sld [smem:$0x3FAC]  }
0x2d: {  	s3 =	simm.s32 $0x108;
	s8 =	sld [smem:$0x3FAD]  }
0x2e: {  	s3 =	simm.s32 @!p0 $0x1082;
	s9 =	sld [smem:$0x3FAE]  }
0x2f: {  	lr =	sadd.s32 s0, s3;
	s0 =	sld [smem:$0x3FA5]  }
0x30: {  	s3 =	sld [smem:$0x3FA8]  }
0x31: {  	[smem:$0x3FB1] =	sst s10  }
0x32: {  	s10 =	sld [smem:$0x3FAF];
	_ =	sdelay $0x3  }
0x33: {  	p0 =	seq.s32 s10, $0x1;
	s10 =	sld [smem:$0x3FB1];
	_ =	sdelay $0x3  }
0x34: {  	[smem:$0x3FB1] =	sst s10  }
0x35: {  	s10 =	sld [smem:$0x3FB0];
	_ =	sdelay $0x3  }
0x36: {  	p1 =	seq.s32 s10, $0x1;
	s10 =	sld [smem:$0x3FB1];
	_ =	sdelay $0x3  }
0x37: {  	[smem:$0x3FB1] =	sst s10  }
0x38: {  	s10 =	sld [smem:$0x3FB2]  }
0x39: {  	_ = 	snop;
	(pc) =	sbr.ind lr, $3  }
0x3a: {  	_ = 	snop  }
0x3b: {  	_ = 	snop  }
0x3c: {  	p2 =	seq.s32 s10, $0x1;
	s10 =	sld [smem:$0x3FB1]  }
0x3d: {  	_ =	shalt  }
0x3e: {  	_ =	shalt  }
0x3f: {  	_ =	shalt  }
0x40: {  	_ =	shalt  }
0x41: {  	_ =	shalt  }
0x42: {  	_ =	shalt  }
0x43: {  	_ =	shalt  }
0x44: {  	_ =	shalt  }
0x45: {  	_ =	shalt  }
0x46: {  	_ =	shalt  }
0x47: {  	_ =	shalt  }
0x48: {  	_ =	shalt  }
0x49: {  	_ =	shalt  }
0x4a: {  	_ =	shalt  }
0x4b: {  	_ =	shalt  }
0x4c: {  	_ =	shalt  }
0x4d: {  	_ =	shalt  }
0x4e: {  	_ =	shalt  }
0x4f: {  	_ =	shalt  }
0x50: {  	_ =	shalt  }
0x51: {  	_ =	shalt  }
0x52: {  	_ =	shalt  }
0x53: {  	_ =	shalt  }
0x54: {  	_ =	shalt  }
0x55: {  	_ =	shalt  }
0x56: {  	_ =	shalt  }
0x57: {  	_ =	shalt  }
0x58: {  	_ =	shalt  }
0x59: {  	_ =	shalt  }
0x5a: {  	_ =	shalt  }
0x5b: {  	_ =	shalt  }
0x5c: {  	_ =	shalt  }
0x5d: {  	_ =	shalt  }
0x5e: {  	_ =	shalt  }
0x5f: {  	_ =	shalt  }
0x60: {  	_ =	shalt  }
0x61: {  	_ =	shalt  }
0x62: {  	_ =	shalt  }
0x63: {  	_ =	shalt  }
0x64: {  	_ =	shalt  }
0x65: {  	_ =	shalt  }
0x66: {  	_ =	shalt  }
0x67: {  	_ =	shalt  }
0x68: {  	_ =	shalt  }
0x69: {  	_ =	shalt  }
0x6a: {  	_ =	shalt  }
0x6b: {  	_ =	shalt  }
0x6c: {  	_ =	shalt  }
0x6d: {  	_ =	shalt  }
0x6e: {  	_ =	shalt  }
0x6f: {  	_ =	shalt  }
0x70: {  	_ =	shalt  }
0x71: {  	_ =	shalt  }
0x72: {  	_ =	shalt  }
0x73: {  	_ =	shalt  }
0x74: {  	_ =	shalt  }
0x75: {  	_ =	shalt  }
0x76: {  	_ =	shalt  }
0x77: {  	_ =	shalt  }
0x78: {  	_ =	shalt  }
0x79: {  	_ =	shalt  }
0x7a: {  	_ =	shalt  }
0x7b: {  	_ =	shalt  }
0x7c: {  	_ =	shalt  }
0x7d: {  	_ =	shalt  }
0x7e: {  	_ =	shalt  }
0x7f: {  	_ =	shalt  }
0x80: {  	_ =	shalt  }
0x81: {  	_ =	shalt  }
0x82: {  	_ =	shalt  }
0x83: {  	_ =	shalt  }
0x84: {  	_ =	shalt  }
0x85: {  	_ =	shalt  }
0x86: {  	_ =	shalt  }
0x87: {  	_ =	shalt  }
.Lfunc_end0:
.L_simem_size_0:
called_computation_lowered:
.L_overlay_start_0:
0x88: {  	s2 =	sld [smem:$0x3FD9]  }
0x89: {  	s3 =	sld [smem:$0x3FFE];
	_ =	sdelay $0x1  }
0x8a: {  	s1 =	srdreg.scid  }
0x8b: {  	s0 =	sand.u32 $0x1, s1  }
0x8c: {  	s16 =	sshll.u32 s0, $0xA;
	s2 =	sadd.s32 s3, s2  }
0x8d: {  	s2 =	sadd.s32 s2, s16  }
0x8e: {  	[smem:$0x3FBD] =	sst s2  }
0x8f: {  	_ = 	snop  }
0x90: {  	(tm) =	ssettm $0x1  }
0x91: {  	s17 =	sld [smem:$0x3FFB];
	_ =	sdelay $0x3  }
0x92: {  	_ =	strace s17  }
0x93: {  	s2 =	sld [smem:$0x3FFC];
	_ =	sdelay $0x3  }
0x94: {  	_ =	strace s2  }
0x95: {  	s2 =	sld [smem:$0x3FFD];
	_ =	sdelay $0x3  }
0x96: {  	_ =	strace s2  }
0x97: {  	_ =	strace $0x8FFFFFFF  }
0x98: {  	s18 =	sld [smem:$0x3FDB];
	_ =	sdelay $0x1  }
0x99: {  	s19 =	simm.s32 $_scs_section_size  }
0x9a: {  	s4 =	simm.s32 $_size__tile_overlayer_lowered;
	s5 =	simm.s32 $_tile_overlayer_lowered  }
0x9b: {  	s22 =	simm.s32 $0x1BFF;
	s21 =	sshll.u32 s5, $0x1;
	s2 =	sadd.s32 s19, s18  }
0x9c: {  	s6 =	simm.s32 $0x0;
	s20 =	sshll.u32 s4, $0x1;
	s4 =	sadd.s32 s21, s2  }
0x9d: {  	[timem:s6], [sflag:s22] =	dma.local [hbm:s4], s20  }
0x9e: {  	_ =	swait.ge [sflag:s22], s20  }
0x9f: {  	s3 =	ssub.s32 $0x0, s20;
	[sflag:s22] =	ssyncset.done $0x0  }
0xa0: {  	[sflag:s22] =	ssyncadd.s32 s3;
	_ =	sdelay $0x1  }
0xa1: {  	s23 =	simm.s32 $0x1B8B  }
0xa2: {  	_ =	swait.ge [sflag:s23], $0x1  }
0xa3: {  	[sflag:s23] =	ssyncset.done $0x0  }
0xa4: {  	s25 =	simm.s32 $0x1B8E;
	s24 =	sld [smem:$0x3FFE];
	[sflag:s23] =	ssyncadd.s32 $0xFFFFFFFF  }
0xa5: {  	s26 =	simm.s32 $execute0_lowered;
	[smem:$0x3FD2] =	sst s25  }
0xa6: {  	s4 =	sshll.u32 s26, $0x1;
	_ =	strace $0x80000046;
	[dreg:$0x1] =	wrdreg $0xFFFFFFFF  }
0xa7: {  	s28 =	simm.s32 $_size_execute0_lowered;
	s2 =	sadd.s32 s2, s4;
	[dreg:$0x0] =	wrdreg $0x0  }
0xa8: {  	s4 =	sshll.u32 s28, $0x1;
	[dreg:$0x2] =	wrdreg s2  }
0xa9: {  	[dreg:$0x3] =	wrdreg s4  }
0xaa: {  	[dreg:$0x4] =	wrdreg $0xC0  }
0xab: {  	_ =	task [dreg:s6], $0x5FFFF  }
0xac: {  	[dreg:$0x1] =	wrdreg $0xFFFFFFFF  }
0xad: {  	[dreg:$0x0] =	wrdreg $0x60  }
0xae: {  	[dreg:$0x2] =	wrdreg s24  }
0xaf: {  	[dreg:$0x3] =	wrdreg $0x9  }
0xb0: {  	_ =	task.clear_ibuf [dreg:s6], $0x4FFFF;
	_ =	strace $0x90000046  }
0xb1: {  	s29 =	simm.s32 $0x9;
	_ =	strace $0x80000048  }
0xb2: {  	_ =	swait.ge [sflag:s29], $0x1  }
0xb3: {  	[sflag:s29] =	ssyncadd.s32 $0xFFFFFFFF  }
0xb4: {  	_ =	strace $0x90000048  }
0xb5: {  	_ =	sfence  }
0xb6: {  	s30 =	sld [smem:$0x0];
	_ =	sdelay $0x2  }
0xb7: {  	s31 =	sshll.u32 s1, $0xD;
	s1 =	sshrl.u32 s1, $0x2  }
0xb8: {  	s3 =	sand.u32 $0x4000, s31;
	s1 =	sadd.s32 s1, s30  }
0xb9: {  	s0 =	sor.u32 s3, s0;
	s1 =	sshll.u32 s1, $0x11  }
0xba: {  	s0 =	sor.u32 s1, s0  }
0xbb: {  	s0 =	sadd.s32 $0x8F2B, s0  }
0xbc: {  	[sflag:s0] =	ssyncadd.remote.s32 $0x1  }
0xbd: {  	_ =	sfence.sel $0xFFFF  }
0xbe: {  	[dreg:$0x0] =	wrdreg $0xFFFFFFFF;
	(pc) =	sbr.abs _section_cstart, $3  }
0xbf: {  	[dreg:$0x1] =	wrdreg $0xFFFFFFFF  }
0xc0: {  	_ =	task.clear_ibuf [dreg:s6], $0x2FFFF;
	_ =	strace $0x9FFFFFFF  }
0xc1: {  	(tm) =	ssettm $0x7FFFFFFF  }
tec
execute0_lowered:
.L_overlay_start_1:
0x0: {  	(tag) =	ssettag $0x1  }
0x1: {  	s1 =	srdreg.scid;
	s0 =	stileid.u32  }
0x2: {  	s12 =	sand.u32 $0x1, s1;
	s30 =	sshll.u32 s0, $0x1  }
0x3: {  	s6 =	sor.u32 s12, s30  }
0x4: {  	s11 =	rddreg [dreg:$0x0];
	s3 =	smul.u32 $0x64, s6  }
0x5: {  	s2 =	simm.s32 $0x0;
	s1 =	rddreg [dreg:$0x1]  }
0x6: {  	[smem:$0x7FF] =	sst s2;
	s10 =	sadd.s32 s3, s11  }
0x7: {  	_ =	strace $0x80000047;
	s3 =	simm.s32 $0x2;
	s4 =	sadd.s32 $0x6A00, s10  }
0x8: {  	[tilespmem:s2], [sflag:$0x2] =	stream.linear.gather [hbm4b:s4+s2], $0x320, $0x38;
	[tilespmem:$0x19380] =	vst v63  }
0x9: {  	s7 =	simm.s32 $0x380;
	_ =	swait.ge [sflag:s3], $0x320  }
0xa: {  	s8 =	simm.s32 $0x1;
	s5 =	sadd.s32 $0x18F000, s11;
	[sflag:s3] =	ssyncset.done $0x0  }
0xb: {  	s9 =	smul.u32 $0x3200, s6;
	s6 =	simm.s32 $0x320;
	[sflag:s3] =	ssyncadd.s32 $0xFFFFFCE0  }
0xc: {  	[tilespmem:s7], [sflag:$0x1] =	stream.indirect.gather [hbm4b:s5+s6], $0x80, s2, s6, $0xb8;
	[tilespmem:$0x19380] =	vst v63  }
0xd: {  	_ =	swait.ge [sflag:s8], $0x19000  }
0xe: {  	s13 =	sadd.s32 s9, s11;
	[sflag:s8] =	ssyncset.done $0x0  }
0xf: {  	s9 =	sadd.s32 $0x8600, s13;
	[sflag:s8] =	ssyncadd.s32 $0xFFFE7000  }
0x10: {  	[hbm4b:s9+s2] =	stream.linear.scatter [tilespmem:s7], [sflag:$0x2], $0x19000, $0x38;
	[tilespmem:$0x19380] =	vst v63  }
0x11: {  	_ =	swait.ge [sflag:s3], $0x19000  }
0x12: {  	[sflag:s3] =	ssyncset.done $0x0  }
0x13: {  	s12 =	ssub.s32 $0x2, s12;
	s10 =	sadd.s32 $0x7800, s10;
	[sflag:s3] =	ssyncadd.s32 $0xFFFE7000  }
0x14: {  	[tilespmem:s2], [sflag:$0x2] =	stream.linear.gather [hbm4b:s10+s2], $0x320, $0x38;
	[tilespmem:$0x19380] =	vst v63  }
0x15: {  	s14 =	sshrl.u32 s12, $0x1;
	_ =	swait.ge [sflag:s3], $0x320  }
0x16: {  	s14 =	ssub.s32 s12, s14;
	[sflag:s3] =	ssyncset.done $0x0  }
0x17: {  	s11 =	sadd.s32 $0x252600, s11;
	s31 =	smax.u32 s14, $0x1;
	[sflag:s3] =	ssyncadd.s32 $0xFFFFFCE0  }
0x18: {  	[tilespmem:s7], [sflag:$0x1] =	stream.indirect.gather [hbm4b:s11+s6], $0x80, s2, s6, $0xb8;
	[tilespmem:$0x19380] =	vst v63  }
0x19: {  	p0 =	sne.s32 s31, $0x1;
	_ =	swait.ge [sflag:s8], $0x19000  }
.Ltmp0:
0x1a: {  	[sflag:s8] =	ssyncset.done $0x0;
	(pc) =	sbr.rel @!p0 .LBB2_2-.Ltmp0, $4  }
0x1b: {  	s12 =	sadd.s32 $0x6C600, s13;
	[sflag:s8] =	ssyncadd.s32 $0xFFFE7000  }
0x1c: {  	[hbm4b:s12+s2] =	stream.linear.scatter [tilespmem:s7], [sflag:$0x2], $0x19000, $0x38;
	[tilespmem:$0x19380] =	vst v63  }
0x1d: {  	_ =	swait.ge [sflag:s3], $0x19000  }
0x1e: {  	s13 =	sadd.s32 $0xFFFFFFFF, s31;
	[sflag:s3] =	ssyncset.done $0x0  }
.LBB2_1:
0x1f: {  	p0 =	sne.s32 s13, $0x1;
	s13 =	sadd.s32 $0xFFFFFFFF, s13;
	[sflag:s3] =	ssyncadd.s32 $0xFFFE7000  }
0x20: {  	[tilespmem:s2], [sflag:$0x2] =	stream.linear.gather [hbm4b:s4+s2], $0x320, $0x38;
	[tilespmem:$0x19380] =	vst v63  }
0x21: {  	_ =	swait.ge [sflag:s3], $0x320  }
0x22: {  	[sflag:s3] =	ssyncset.done $0x0  }
0x23: {  	[sflag:s3] =	ssyncadd.s32 $0xFFFFFCE0  }
0x24: {  	[tilespmem:s7], [sflag:$0x1] =	stream.indirect.gather [hbm4b:s5+s6], $0x80, s2, s6, $0xb8;
	[tilespmem:$0x19380] =	vst v63  }
0x25: {  	_ =	swait.ge [sflag:s8], $0x19000  }
0x26: {  	[sflag:s8] =	ssyncset.done $0x0  }
0x27: {  	[sflag:s8] =	ssyncadd.s32 $0xFFFE7000  }
0x28: {  	[hbm4b:s9+s2] =	stream.linear.scatter [tilespmem:s7], [sflag:$0x2], $0x19000, $0x38;
	[tilespmem:$0x19380] =	vst v63  }
0x29: {  	_ =	swait.ge [sflag:s3], $0x19000  }
0x2a: {  	[sflag:s3] =	ssyncset.done $0x0  }
0x2b: {  	[sflag:s3] =	ssyncadd.s32 $0xFFFE7000  }
0x2c: {  	[tilespmem:s2], [sflag:$0x2] =	stream.linear.gather [hbm4b:s10+s2], $0x320, $0x38;
	[tilespmem:$0x19380] =	vst v63  }
0x2d: {  	_ =	swait.ge [sflag:s3], $0x320  }
0x2e: {  	[sflag:s3] =	ssyncset.done $0x0  }
0x2f: {  	[sflag:s3] =	ssyncadd.s32 $0xFFFFFCE0  }
0x30: {  	[tilespmem:s7], [sflag:$0x1] =	stream.indirect.gather [hbm4b:s11+s6], $0x80, s2, s6, $0xb8;
	[tilespmem:$0x19380] =	vst v63  }
0x31: {  	_ =	swait.ge [sflag:s8], $0x19000  }
.Ltmp1:
0x32: {  	[sflag:s8] =	ssyncset.done $0x0;
	(pc) =	sbr.rel @p0 .LBB2_1-.Ltmp1, $4  }
0x33: {  	[sflag:s8] =	ssyncadd.s32 $0xFFFE7000  }
0x34: {  	[hbm4b:s12+s2] =	stream.linear.scatter [tilespmem:s7], [sflag:$0x2], $0x19000, $0x38;
	[tilespmem:$0x19380] =	vst v63  }
0x35: {  	_ =	swait.ge [sflag:s3], $0x19000  }
0x36: {  	[sflag:s3] =	ssyncset.done $0x0  }
.LBB2_2:
0x37: {  	[sflag:s3] =	ssyncadd.s32 $0xFFFE7000  }
0x38: {  	_ =	sfence.sel $0x180000  }
0x39: {  	[bflag:$0x0] =	sbarrier.arrive $0xFFFF  }
0x3a: {  	p0 =	sne.s32 s0, $0x0;
	_ =	strace $0x90000047  }
0x3b: {  	s0 =	sadd.s32 @!p0 $0x100000, s1;
	[bflag:$0x2] =	sbarrier.arrive $0xFFFF  }
0x3c: {  	[sflag:s0] =	ssyncadd.tile.s32 @!p0 $0x1;
	_ =	shalt  }
.Lfunc_end2:
_tile_overlayer_lowered:
.L_overlay_start_2:
0x3d: {  	(tag) =	ssettag $0x2  }
0x3e: {  	s0 =	rddreg [dreg:$0x0];
	s2 =	stileid.u32  }
0x3f: {  	s1 =	rddreg [dreg:$0x1];
	p0 =	sne.s32 s2, $0x0  }
0x40: {  	s3 =	rddreg [dreg:$0x2];
	[bflag:$0x3] =	sbarrier.arrive $0xFFFF;
	s2 =	simm.s32 @!p0 $0x1C02  }
0x41: {  	[timem:s3], [sflag:s2] =	dma.local @!p0 [hbm:s0], s1  }
0x42: {  	s0 =	simm.s32 @!p0 $0x2  }
0x43: {  	_ =	swait.ge @!p0 [sflag:s0], s1  }
0x44: {  	s1 =	ssub.s32 @!p0 $0x0, s1;
	[sflag:s0] =	ssyncset.done @!p0 $0x0  }
0x45: {  	[sflag:s0] =	ssyncadd.s32 @!p0 s1  }
0x46: {  	[bflag:$0x3] =	sbarrier.arrive $0xFFFF  }
0x47: {  	_ =	shalt  }

// kernel: kernel.9.cloned.1.call-start
scs
__scs_entry_jumppad:
0x0: {  	(pc) =	sbr.rel $0x88, $3  }
0x1: {  	(tag) =	ssettag $0x0;
	lr =	simm.s32 $0x1  }
0x2: {  	[smem:$0x3F96] =	sst lr;
	_ =	strace $0xD0000000  }
0x3: {  	_ = 	snop  }
0x4: {  	_ = 	snop  }
0x5: {  	_ = 	snop  }
0x6: {  	_ = 	snop  }
0x7: {  	_ = 	snop  }
__scs_overlays_trampoline_lowered:
0x8: {  	[smem:$0x3FA5] =	sst s0  }
0x9: {  	[smem:$0x3FA6] =	sst s1  }
0xa: {  	[smem:$0x3FA7] =	sst s2  }
0xb: {  	[smem:$0x3FA8] =	sst s3  }
0xc: {  	[smem:$0x3FA9] =	sst s4  }
0xd: {  	[smem:$0x3FAA] =	sst s5  }
0xe: {  	[smem:$0x3FAB] =	sst s6  }
0xf: {  	[smem:$0x3FAC] =	sst s7  }
0x10: {  	[smem:$0x3FAD] =	sst s8  }
0x11: {  	[smem:$0x3FAE] =	sst s9;
	s0 =	simm.s32 @!p0 $0x0  }
0x12: {  	s1 =	sld [smem:$0x3F94];
	s0 =	simm.s32 @p0 $0x1  }
0x13: {  	[smem:$0x3FAF] =	sst s0;
	s0 =	simm.s32 @!p1 $0x0  }
0x14: {  	s2 =	sld [smem:$0x3F93];
	s0 =	simm.s32 @p1 $0x1  }
0x15: {  	[smem:$0x3FB0] =	sst s0;
	s0 =	simm.s32 @!p2 $0x0  }
0x16: {  	s3 =	sld [smem:$0x3FDB];
	s0 =	simm.s32 @p2 $0x1  }
0x17: {  	s4 =	simm.s32 $0x1BF5;
	[smem:$0x3FB2] =	sst s0  }
0x18: {  	s0 =	sld [smem:$0x3F95];
	_ =	swait.ge [sflag:s4], $0x0  }
0x19: {  	s7 =	sld [smem:$0x3F96]  }
0x1a: {  	s8 =	sadd.s32 $0xFFFFE003, lr  }
0x1b: {  	s9 =	sadd.s32 $0xFFFFFEF7, lr;
	s5 =	simm.s32 $0xFFFFFFFF;
	p2 =	slt.u32 s8, $0xFFFFF086  }
0x1c: {  	p1 =	slt.u32 s9, $0xF7A;
	s5 =	simm.s32 @!p2 $0x0  }
0x1d: {  	s5 =	simm.s32 @p1 $0x1;
	p0 =	seq.s32 s7, s2  }
0x1e: {  	s7 =	smul.u32 @!p0 $0xF7A, s2;
	p2 =	seq.s32 @!p0 s5, $0x0  }
0x1f: {  	s9 =	smul.u32 $0xF7A, s1;
	s8 =	simm.s32 @!p0 $0x1BF5;
	p2 =	por !p2, p0  }
0x20: {  	[sflag:s8] =	ssyncset.s32 @!p0 $0xFFFFF086;
	s6 =	sadd.s32 @!p0 s3, s7;
	s7 =	simm.s32 @!p0 $0x108  }
0x21: {  	s3 =	sadd.s32 s3, s9;
	s6 =	sadd.s32 @!p0 $0x88, s6;
	s7 =	simm.s32 @p2 $0x1082  }
0x22: {  	[simem:s7], [sflag:s8] =	dma.local @!p0 [hbm:s6], $0xF7A  }
0x23: {  	s9 =	sor.u32 $0xD0000000, s2;
	s6 =	simm.s32 $0x108;
	_ =	swait.ge @!p0 [sflag:s8], $0x0  }
0x24: {  	s3 =	sadd.s32 $0x88, s3;
	s6 =	simm.s32 @!p1 $0x1082;
	[sflag:s4] =	ssyncset.s32 $0xFFFFF086  }
0x25: {  	[simem:s6], [sflag:s4] =	dma.local [hbm:s3], $0xF7A  }
0x26: {  	[smem:$0x3F96] =	sst s1;
	(tag) =	ssettag s2;
	_ =	strace s9  }
0x27: {  	s1 =	sld [smem:$0x3FA6]  }
0x28: {  	s2 =	sld [smem:$0x3FA7]  }
0x29: {  	s4 =	sld [smem:$0x3FA9]  }
0x2a: {  	p0 =	seq.s32 s5, $0x0;
	s5 =	sld [smem:$0x3FAA]  }
0x2b: {  	s6 =	sld [smem:$0x3FAB]  }
0x2c: {  	s7 =	sld [smem:$0x3FAC]  }
0x2d: {  	s3 =	simm.s32 $0x108;
	s8 =	sld [smem:$0x3FAD]  }
0x2e: {  	s3 =	simm.s32 @!p0 $0x1082;
	s9 =	sld [smem:$0x3FAE]  }
0x2f: {  	lr =	sadd.s32 s0, s3;
	s0 =	sld [smem:$0x3FA5]  }
0x30: {  	s3 =	sld [smem:$0x3FA8]  }
0x31: {  	[smem:$0x3FB1] =	sst s10  }
0x32: {  	s10 =	sld [smem:$0x3FAF];
	_ =	sdelay $0x3  }
0x33: {  	p0 =	seq.s32 s10, $0x1;
	s10 =	sld [smem:$0x3FB1];
	_ =	sdelay $0x3  }
0x34: {  	[smem:$0x3FB1] =	sst s10  }
0x35: {  	s10 =	sld [smem:$0x3FB0];
	_ =	sdelay $0x3  }
0x36: {  	p1 =	seq.s32 s10, $0x1;
	s10 =	sld [smem:$0x3FB1];
	_ =	sdelay $0x3  }
0x37: {  	[smem:$0x3FB1] =	sst s10  }
0x38: {  	s10 =	sld [smem:$0x3FB2]  }
0x39: {  	_ = 	snop;
	(pc) =	sbr.ind lr, $3  }
0x3a: {  	_ = 	snop  }
0x3b: {  	_ = 	snop  }
0x3c: {  	p2 =	seq.s32 s10, $0x1;
	s10 =	sld [smem:$0x3FB1]  }
0x3d: {  	_ =	shalt  }
0x3e: {  	_ =	shalt  }
0x3f: {  	_ =	shalt  }
0x40: {  	_ =	shalt  }
0x41: {  	_ =	shalt  }
0x42: {  	_ =	shalt  }
0x43: {  	_ =	shalt  }
0x44: {  	_ =	shalt  }
0x45: {  	_ =	shalt  }
0x46: {  	_ =	shalt  }
0x47: {  	_ =	shalt  }
0x48: {  	_ =	shalt  }
0x49: {  	_ =	shalt  }
0x4a: {  	_ =	shalt  }
0x4b: {  	_ =	shalt  }
0x4c: {  	_ =	shalt  }
0x4d: {  	_ =	shalt  }
0x4e: {  	_ =	shalt  }
0x4f: {  	_ =	shalt  }
0x50: {  	_ =	shalt  }
0x51: {  	_ =	shalt  }
0x52: {  	_ =	shalt  }
0x53: {  	_ =	shalt  }
0x54: {  	_ =	shalt  }
0x55: {  	_ =	shalt  }
0x56: {  	_ =	shalt  }
0x57: {  	_ =	shalt  }
0x58: {  	_ =	shalt  }
0x59: {  	_ =	shalt  }
0x5a: {  	_ =	shalt  }
0x5b: {  	_ =	shalt  }
0x5c: {  	_ =	shalt  }
0x5d: {  	_ =	shalt  }
0x5e: {  	_ =	shalt  }
0x5f: {  	_ =	shalt  }
0x60: {  	_ =	shalt  }
0x61: {  	_ =	shalt  }
0x62: {  	_ =	shalt  }
0x63: {  	_ =	shalt  }
0x64: {  	_ =	shalt  }
0x65: {  	_ =	shalt  }
0x66: {  	_ =	shalt  }
0x67: {  	_ =	shalt  }
0x68: {  	_ =	shalt  }
0x69: {  	_ =	shalt  }
0x6a: {  	_ =	shalt  }
0x6b: {  	_ =	shalt  }
0x6c: {  	_ =	shalt  }
0x6d: {  	_ =	shalt  }
0x6e: {  	_ =	shalt  }
0x6f: {  	_ =	shalt  }
0x70: {  	_ =	shalt  }
0x71: {  	_ =	shalt  }
0x72: {  	_ =	shalt  }
0x73: {  	_ =	shalt  }
0x74: {  	_ =	shalt  }
0x75: {  	_ =	shalt  }
0x76: {  	_ =	shalt  }
0x77: {  	_ =	shalt  }
0x78: {  	_ =	shalt  }
0x79: {  	_ =	shalt  }
0x7a: {  	_ =	shalt  }
0x7b: {  	_ =	shalt  }
0x7c: {  	_ =	shalt  }
0x7d: {  	_ =	shalt  }
0x7e: {  	_ =	shalt  }
0x7f: {  	_ =	shalt  }
0x80: {  	_ =	shalt  }
0x81: {  	_ =	shalt  }
0x82: {  	_ =	shalt  }
0x83: {  	_ =	shalt  }
0x84: {  	_ =	shalt  }
0x85: {  	_ =	shalt  }
0x86: {  	_ =	shalt  }
0x87: {  	_ =	shalt  }
.Lfunc_end0:
.L_simem_size_0:
called_computation.1_lowered:
.L_overlay_start_0:
0x88: {  	s2 =	sld [smem:$0x3FD9]  }
0x89: {  	s3 =	sld [smem:$0x3FFE];
	_ =	sdelay $0x1  }
0x8a: {  	s1 =	srdreg.scid  }
0x8b: {  	s0 =	sand.u32 $0x1, s1  }
0x8c: {  	s17 =	sshll.u32 s0, $0xA;
	s2 =	sadd.s32 s3, s2  }
0x8d: {  	s2 =	sadd.s32 s2, s17  }
0x8e: {  	[smem:$0x3FBD] =	sst s2  }
0x8f: {  	_ = 	snop  }
0x90: {  	(tm) =	ssettm $0x1  }
0x91: {  	s18 =	sld [smem:$0x3FFB];
	_ =	sdelay $0x3  }
0x92: {  	_ =	strace s18  }
0x93: {  	s2 =	sld [smem:$0x3FFC];
	_ =	sdelay $0x3  }
0x94: {  	_ =	strace s2  }
0x95: {  	s2 =	sld [smem:$0x3FFD];
	_ =	sdelay $0x3  }
0x96: {  	_ =	strace s2  }
0x97: {  	_ =	strace $0x8FFFFFFF  }
0x98: {  	s19 =	sld [smem:$0x3FDB];
	_ =	sdelay $0x1  }
0x99: {  	s20 =	simm.s32 $_scs_section_size  }
0x9a: {  	s4 =	simm.s32 $_size__tile_overlayer_lowered;
	s5 =	simm.s32 $_tile_overlayer_lowered  }
0x9b: {  	s6 =	simm.s32 $0x1BFF;
	s21 =	sshll.u32 s5, $0x1;
	s3 =	sadd.s32 s20, s19  }
0x9c: {  	s22 =	simm.s32 $0x0;
	s4 =	sshll.u32 s4, $0x1;
	s5 =	sadd.s32 s21, s3  }
0x9d: {  	[timem:s22], [sflag:s6] =	dma.local [hbm:s5], s4  }
0x9e: {  	_ =	swait.ge [sflag:s6], s4  }
0x9f: {  	s4 =	ssub.s32 $0x0, s4;
	[sflag:s6] =	ssyncset.done $0x0  }
0xa0: {  	[sflag:s6] =	ssyncadd.s32 s4;
	_ =	sdelay $0x1  }
0xa1: {  	s23 =	simm.s32 $0x1B8B  }
0xa2: {  	_ =	swait.ge [sflag:s23], $0x1  }
0xa3: {  	[sflag:s23] =	ssyncset.done $0x0  }
0xa4: {  	[sflag:s23] =	ssyncadd.s32 $0xFFFFFFFF  }
0xa5: {  	s4 =	sld [smem:$0x0]  }
0xa6: {  	s5 =	sand.u32 $0xFFFFFFFE, s1  }
0xa7: {  	p0 =	sne.s32 s1, s5  }
0xa8: {  	s5 =	sshll.u32 @p0 s5, $0xE  }
0xa9: {  	s5 =	sadd.s32 @p0 $0x11B8D, s5;
	s6 =	sshll.u32 @p0 s4, $0x11  }
0xaa: {  	s5 =	sor.u32 @p0 s6, s5  }
0xab: {  	[sflag:s5] =	ssyncadd.remote.s32 @p0 $0x1;
	_ =	sdelay $0x1  }
0xac: {  	s5 =	simm.s32 @p0 $0x1B8D  }
0xad: {  	_ =	swait.eq @p0 [sflag:s5], $0x1  }
0xae: {  	[sflag:s5] =	ssyncadd.s32 @p0 $0xFFFFFFFF  }
0xaf: {  	s6 =	sshll.u32 @!p0 s1, $0xE  }
0xb0: {  	s6 =	sor.u32 @!p0 $0x4000, s6;
	s5 =	simm.s32 @!p0 $0x1B8D  }
0xb1: {  	s4 =	sshll.u32 @!p0 s4, $0x11;
	s6 =	sadd.s32 @!p0 $0x11B8D, s6;
	_ =	swait.eq @!p0 [sflag:s5], $0x1  }
0xb2: {  	s4 =	sor.u32 @!p0 s4, s6;
	[sflag:s5] =	ssyncadd.s32 @!p0 $0xFFFFFFFF  }
0xb3: {  	s25 =	simm.s32 $0x1B8E;
	s24 =	sld [smem:$0x3FFE];
	[sflag:s4] =	ssyncadd.remote.s32 @!p0 $0x1  }
0xb4: {  	s26 =	simm.s32 $execute0_lowered;
	[smem:$0x3FD2] =	sst s25  }
0xb5: {  	s5 =	sshll.u32 s26, $0x1;
	_ =	strace $0x80000049;
	[dreg:$0x1] =	wrdreg $0xFFFFFFFF  }
0xb6: {  	s28 =	simm.s32 $_size_execute0_lowered;
	s3 =	sadd.s32 s3, s5;
	[dreg:$0x0] =	wrdreg $0x0  }
0xb7: {  	s5 =	sshll.u32 s28, $0x1;
	[dreg:$0x2] =	wrdreg s3  }
0xb8: {  	[dreg:$0x3] =	wrdreg s5  }
0xb9: {  	[dreg:$0x4] =	wrdreg $0xC0  }
0xba: {  	_ =	task [dreg:s22], $0x5FFFF  }
0xbb: {  	[dreg:$0x1] =	wrdreg $0xFFFFFFFF  }
0xbc: {  	[dreg:$0x0] =	wrdreg $0x60  }
0xbd: {  	[dreg:$0x2] =	wrdreg s24  }
0xbe: {  	[dreg:$0x3] =	wrdreg $0xA  }
0xbf: {  	_ =	task.clear_ibuf [dreg:s22], $0x4FFFF;
	_ =	strace $0x90000049  }
0xc0: {  	s29 =	simm.s32 $0xA;
	_ =	strace $0x8000004B  }
0xc1: {  	_ =	swait.ge [sflag:s29], $0x1  }
0xc2: {  	[sflag:s29] =	ssyncadd.s32 $0xFFFFFFFF  }
0xc3: {  	_ =	strace $0x9000004B  }
0xc4: {  	_ =	sfence  }
0xc5: {  	s30 =	sld [smem:$0x0];
	_ =	sdelay $0x2  }
0xc6: {  	s31 =	sshll.u32 s1, $0xD;
	s1 =	sshrl.u32 s1, $0x2  }
0xc7: {  	s4 =	sand.u32 $0x4000, s31;
	s1 =	sadd.s32 s1, s30  }
0xc8: {  	s0 =	sor.u32 s4, s0;
	s1 =	sshll.u32 s1, $0x11  }
0xc9: {  	s0 =	sor.u32 s1, s0  }
0xca: {  	s0 =	sadd.s32 $0x8F2B, s0  }
0xcb: {  	[sflag:s0] =	ssyncadd.remote.s32 $0x1  }
0xcc: {  	_ =	sfence.sel $0xFFFF  }
0xcd: {  	[dreg:$0x0] =	wrdreg $0xFFFFFFFF;
	(pc) =	sbr.abs _section_cstart, $3  }
0xce: {  	[dreg:$0x1] =	wrdreg $0xFFFFFFFF  }
0xcf: {  	_ =	task.clear_ibuf [dreg:s22], $0x2FFFF;
	_ =	strace $0x9FFFFFFF  }
0xd0: {  	(tm) =	ssettm $0x7FFFFFFF  }
0xd1: {  	_ =	shalt  }
tec
execute0_lowered:
.L_overlay_start_1:
0x0: {  	(tag) =	ssettag $0x1  }
0x1: {  	s1 =	srdreg.scid;
	s0 =	stileid.u32  }
0x2: {  	s12 =	sand.u32 $0x1, s1;
	s30 =	sshll.u32 s0, $0x1  }
0x3: {  	s6 =	sor.u32 s12, s30  }
0x4: {  	s11 =	rddreg [dreg:$0x0];
	s3 =	smul.u32 $0x64, s6  }
0x5: {  	s2 =	simm.s32 $0x0;
	s1 =	rddreg [dreg:$0x1]  }
0x6: {  	[smem:$0x7FF] =	sst s2;
	s10 =	sadd.s32 s3, s11  }
0x7: {  	_ =	strace $0x8000004A;
	s3 =	simm.s32 $0x2;
	s4 =	sadd.s32 $0xD0600, s10  }
0x8: {  	[tilespmem:s2], [sflag:$0x2] =	stream.linear.gather [hbm4b:s4+s2], $0x320, $0x38;
	[tilespmem:$0x19380] =	vst v63  }
0x9: {  	s7 =	simm.s32 $0x380;
	_ =	swait.ge [sflag:s3], $0x320  }
0xa: {  	s8 =	simm.s32 $0x1;
	s5 =	sadd.s32 $0x18F000, s11;
	[sflag:s3] =	ssyncset.done $0x0  }
0xb: {  	s9 =	smul.u32 $0x3200, s6;
	s6 =	simm.s32 $0x320;
	[sflag:s3] =	ssyncadd.s32 $0xFFFFFCE0  }
0xc: {  	[tilespmem:s7], [sflag:$0x1] =	stream.indirect.gather [hbm4b:s5+s6], $0x80, s2, s6, $0xb8;
	[tilespmem:$0x19380] =	vst v63  }
0xd: {  	_ =	swait.ge [sflag:s8], $0x19000  }
0xe: {  	s13 =	sadd.s32 s9, s11;
	[sflag:s8] =	ssyncset.done $0x0  }
0xf: {  	s9 =	sadd.s32 $0xD2200, s13;
	[sflag:s8] =	ssyncadd.s32 $0xFFFE7000  }
0x10: {  	[hbm4b:s9+s2] =	stream.linear.scatter [tilespmem:s7], [sflag:$0x2], $0x19000, $0x38;
	[tilespmem:$0x19380] =	vst v63  }
0x11: {  	_ =	swait.ge [sflag:s3], $0x19000  }
0x12: {  	[sflag:s3] =	ssyncset.done $0x0  }
0x13: {  	s12 =	ssub.s32 $0x2, s12;
	s10 =	sadd.s32 $0xD1400, s10;
	[sflag:s3] =	ssyncadd.s32 $0xFFFE7000  }
0x14: {  	[tilespmem:s2], [sflag:$0x2] =	stream.linear.gather [hbm4b:s10+s2], $0x320, $0x38;
	[tilespmem:$0x19380] =	vst v63  }
0x15: {  	s14 =	sshrl.u32 s12, $0x1;
	_ =	swait.ge [sflag:s3], $0x320  }
0x16: {  	s14 =	ssub.s32 s12, s14;
	[sflag:s3] =	ssyncset.done $0x0  }
0x17: {  	s11 =	sadd.s32 $0x252600, s11;
	s31 =	smax.u32 s14, $0x1;
	[sflag:s3] =	ssyncadd.s32 $0xFFFFFCE0  }
0x18: {  	[tilespmem:s7], [sflag:$0x1] =	stream.indirect.gather [hbm4b:s11+s6], $0x80, s2, s6, $0xb8;
	[tilespmem:$0x19380] =	vst v63  }
0x19: {  	p0 =	sne.s32 s31, $0x1;
	_ =	swait.ge [sflag:s8], $0x19000  }
.Ltmp0:
0x1a: {  	[sflag:s8] =	ssyncset.done $0x0;
	(pc) =	sbr.rel @!p0 .LBB2_2-.Ltmp0, $4  }
0x1b: {  	s12 =	sadd.s32 $0x315C00, s13;
	[sflag:s8] =	ssyncadd.s32 $0xFFFE7000  }
0x1c: {  	[hbm4b:s12+s2] =	stream.linear.scatter [tilespmem:s7], [sflag:$0x2], $0x19000, $0x38;
	[tilespmem:$0x19380] =	vst v63  }
0x1d: {  	_ =	swait.ge [sflag:s3], $0x19000  }
0x1e: {  	s13 =	sadd.s32 $0xFFFFFFFF, s31;
	[sflag:s3] =	ssyncset.done $0x0  }
.LBB2_1:
0x1f: {  	p0 =	sne.s32 s13, $0x1;
	s13 =	sadd.s32 $0xFFFFFFFF, s13;
	[sflag:s3] =	ssyncadd.s32 $0xFFFE7000  }
0x20: {  	[tilespmem:s2], [sflag:$0x2] =	stream.linear.gather [hbm4b:s4+s2], $0x320, $0x38;
	[tilespmem:$0x19380] =	vst v63  }
0x21: {  	_ =	swait.ge [sflag:s3], $0x320  }
0x22: {  	[sflag:s3] =	ssyncset.done $0x0  }
0x23: {  	[sflag:s3] =	ssyncadd.s32 $0xFFFFFCE0  }
0x24: {  	[tilespmem:s7], [sflag:$0x1] =	stream.indirect.gather [hbm4b:s5+s6], $0x80, s2, s6, $0xb8;
	[tilespmem:$0x19380] =	vst v63  }
0x25: {  	_ =	swait.ge [sflag:s8], $0x19000  }
0x26: {  	[sflag:s8] =	ssyncset.done $0x0  }
0x27: {  	[sflag:s8] =	ssyncadd.s32 $0xFFFE7000  }
0x28: {  	[hbm4b:s9+s2] =	stream.linear.scatter [tilespmem:s7], [sflag:$0x2], $0x19000, $0x38;
	[tilespmem:$0x19380] =	vst v63  }
0x29: {  	_ =	swait.ge [sflag:s3], $0x19000  }
0x2a: {  	[sflag:s3] =	ssyncset.done $0x0  }
0x2b: {  	[sflag:s3] =	ssyncadd.s32 $0xFFFE7000  }
0x2c: {  	[tilespmem:s2], [sflag:$0x2] =	stream.linear.gather [hbm4b:s10+s2], $0x320, $0x38;
	[tilespmem:$0x19380] =	vst v63  }
0x2d: {  	_ =	swait.ge [sflag:s3], $0x320  }
0x2e: {  	[sflag:s3] =	ssyncset.done $0x0  }
0x2f: {  	[sflag:s3] =	ssyncadd.s32 $0xFFFFFCE0  }
0x30: {  	[tilespmem:s7], [sflag:$0x1] =	stream.indirect.gather [hbm4b:s11+s6], $0x80, s2, s6, $0xb8;
	[tilespmem:$0x19380] =	vst v63  }
0x31: {  	_ =	swait.ge [sflag:s8], $0x19000  }
.Ltmp1:
0x32: {  	[sflag:s8] =	ssyncset.done $0x0;
	(pc) =	sbr.rel @p0 .LBB2_1-.Ltmp1, $4  }
0x33: {  	[sflag:s8] =	ssyncadd.s32 $0xFFFE7000  }
0x34: {  	[hbm4b:s12+s2] =	stream.linear.scatter [tilespmem:s7], [sflag:$0x2], $0x19000, $0x38;
	[tilespmem:$0x19380] =	vst v63  }
0x35: {  	_ =	swait.ge [sflag:s3], $0x19000  }
0x36: {  	[sflag:s3] =	ssyncset.done $0x0  }
.LBB2_2:
0x37: {  	[sflag:s3] =	ssyncadd.s32 $0xFFFE7000  }
0x38: {  	_ =	sfence.sel $0x180000  }
0x39: {  	[bflag:$0x0] =	sbarrier.arrive $0xFFFF  }
0x3a: {  	p0 =	sne.s32 s0, $0x0;
	_ =	strace $0x9000004A  }
0x3b: {  	s0 =	sadd.s32 @!p0 $0x100000, s1;
	[bflag:$0x2] =	sbarrier.arrive $0xFFFF  }
0x3c: {  	[sflag:s0] =	ssyncadd.tile.s32 @!p0 $0x1;
	_ =	shalt  }
.Lfunc_end2:
_tile_overlayer_lowered:
.L_overlay_start_2:
0x3d: {  	(tag) =	ssettag $0x2  }
0x3e: {  	s0 =	rddreg [dreg:$0x0];
	s2 =	stileid.u32  }
0x3f: {  	s1 =	rddreg [dreg:$0x1];
	p0 =	sne.s32 s2, $0x0  }
0x40: {  	s3 =	rddreg [dreg:$0x2];
	[bflag:$0x3] =	sbarrier.arrive $0xFFFF;
	s2 =	simm.s32 @!p0 $0x1C02  }
0x41: {  	[timem:s3], [sflag:s2] =	dma.local @!p0 [hbm:s0], s1  }
0x42: {  	s0 =	simm.s32 @!p0 $0x2  }
0x43: {  	_ =	swait.ge @!p0 [sflag:s0], s1  }
0x44: {  	s1 =	ssub.s32 @!p0 $0x0, s1;
	[sflag:s0] =	ssyncset.done @!p0 $0x0  }
0x45: {  	[sflag:s0] =	ssyncadd.s32 @!p0 s1  }
0x46: {  	[bflag:$0x3] =	sbarrier.arrive $0xFFFF  }
0x47: {  	_ =	shalt  }

</sc_bundles>
